<compile_context>
chip_gen: v7x
topology: tpu7x:2x2x1
jax: 0.10.2.dev20260603
libtpu: 0.0.44.dev20260713+nightly
codegen_flags: <defaults>
</compile_context>

<pallas_src>
import functools

import jax
import jax.numpy as jnp
from jax import lax
from jax.experimental import pallas as pl
from jax.experimental.pallas import tpu as pltpu
from jax.experimental.pallas import tpu_sc as plsc

NUM_CORES = 2
NUM_SUBCORES = 16
LANES = 16
NW = NUM_CORES * NUM_SUBCORES
CHUNK = 25088
FSEG = 4096


def _sc_partials(label, feat_t, centers_t, tailp):
    d_dim, b = feat_t.shape
    _, v = centers_t.shape
    d_per_w = d_dim // NW
    main_w = (v // 128) * 128
    row_pad = main_w + 128
    n_chunks = -(-main_w // CHUNK)
    offs = [c * CHUNK for c in range(n_chunks)]
    lens = [min(CHUNK, main_w - o) for o in offs]
    n_segs = b // FSEG
    n_vec = FSEG // LANES
    mesh = plsc.VectorSubcoreMesh(core_axis_name="c", subcore_axis_name="s")

    @functools.partial(
        pl.kernel,
        mesh=mesh,
        out_type=jax.ShapeDtypeStruct((NW, 128), jnp.float32),
        scratch_types=[
            pltpu.VMEM((b,), jnp.int32),
            pltpu.VMEM_SHARED((b,), jnp.int32),
            pltpu.VMEM((FSEG,), jnp.float32),
            pltpu.VMEM((FSEG,), jnp.float32),
            pltpu.VMEM((row_pad,), jnp.float32),
            pltpu.VMEM((128,), jnp.float32),
            pltpu.SemaphoreType.DMA,
            pltpu.SemaphoreType.DMA,
            pltpu.SemaphoreType.DMA,
            pltpu.SemaphoreType.DMA,
        ],
        compiler_params=pltpu.CompilerParams(
            use_tc_tiling_on_sc=True, needs_layout_passes=False),
    )
    def k(label_hbm, feat_hbm, centers_hbm, tailp_hbm, out_hbm, lab_v,
          labsh_v, frow0_v, frow1_v, row_v, part_v, lab_sem, frow0_sem,
          frow1_sem, row_sem):
        sid = lax.axis_index("s")
        wid = sid * NUM_CORES + lax.axis_index("c")
        lab_chunk = b // NUM_SUBCORES
        frow_v = [frow0_v, frow1_v]
        frow_sem = [frow0_sem, frow1_sem]
        segs = [(di, q) for di in range(d_per_w) for q in range(n_segs)]

        def start_row(di):
            d = wid * d_per_w + di
            cps = [
                pltpu.async_copy(
                    centers_hbm.at[d, pl.ds(offs[c], lens[c])],
                    row_v.at[pl.ds(offs[c], lens[c])],
                    row_sem,
                )
                for c in range(n_chunks)
            ]
            cps.append(pltpu.async_copy(
                tailp_hbm.at[d], row_v.at[pl.ds(main_w, 128)], row_sem))
            return cps

        def start_frow(s, buf):
            di, q = segs[s]
            return pltpu.async_copy(
                feat_hbm.at[wid * d_per_w + di, pl.ds(q * FSEG, FSEG)],
                frow_v[buf], frow_sem[buf])

        lab_cp = pltpu.async_copy(
            label_hbm.at[pl.ds(sid * lab_chunk, lab_chunk)],
            labsh_v.at[pl.ds(sid * lab_chunk, lab_chunk)], lab_sem)
        row_cps = start_row(0)
        fpend = start_frow(0, 0)
        lab_cp.wait()
        plsc.subcore_barrier()
        pltpu.sync_copy(labsh_v, lab_v)

        acc = jnp.zeros((LANES,), jnp.float32)
        for s, (di, q) in enumerate(segs):
            buf = s % 2
            if q == 0:
                for cp in row_cps:
                    cp.wait()
            fpend.wait()
            if s + 1 < len(segs):
                fpend = start_frow(s + 1, 1 - buf)
            frow = frow_v[buf]

            def body(i, a, _base=q * FSEG, _frow=frow):
                st = i * LANES
                lab = lab_v[pl.ds(_base + st, LANES)]
                cval = plsc.load_gather(row_v, [lab])
                fval = _frow[pl.ds(st, LANES)]
                diff = fval - cval
                return a + diff * diff

            acc = lax.fori_loop(0, n_vec, body, acc, unroll=8)
            if q == n_segs - 1 and di + 1 < d_per_w:
                row_cps = start_row(di + 1)

        zero = jnp.zeros((LANES,), jnp.float32)
        for j in range(128 // LANES):
            part_v[pl.ds(j * LANES, LANES)] = zero
        part_v[pl.ds(0, LANES)] = acc
        pltpu.sync_copy(part_v, out_hbm.at[wid])

    return k(label, feat_t, centers_t, tailp)


def _reduce_partials(partials, scale):
    def rk(p_ref, o_ref):
        o_ref[0, 0] = jnp.sum(p_ref[...]) * scale

    return pl.pallas_call(
        rk,
        out_shape=jax.ShapeDtypeStruct((1, 1), jnp.float32),
        out_specs=pl.BlockSpec(memory_space=pltpu.SMEM),
    )(partials)


def kernel(label, feat, centers):
    batch = feat.shape[0]
    feat = feat.reshape(batch, -1)
    centers_t = centers.T
    v = centers_t.shape[1]
    main_w = (v // 128) * 128
    tailp = jnp.pad(centers_t[:, main_w:], ((0, 0), (0, 128 - (v - main_w))))
    partials = _sc_partials(label.astype(jnp.int32), feat.T, centers_t, tailp)
    out = _reduce_partials(partials, 0.5 / batch)
    return out[0, 0]

# --- scband reference (transcript-rebuilt; emitter-appended) ---
"""Pipeline reference for scband-center-loss-26259430047753 (READ-ONLY COPY).

The authoritative reference and input builder live on the scoring server;
editing this copy changes nothing except your own understanding.
"""

import jax, jax.numpy as jnp
import numpy as np

NUM_CLASSES = 100000
FEAT_DIM = 64
BATCH = 16384

def setup_inputs(seed: int = 0) -> dict:
    key = jax.random.key(seed)
    k1, k2, k3 = jax.random.split(key, 3)
    label = jax.random.randint(k1, (BATCH,), 0, NUM_CLASSES)
    feat = jax.random.normal(k2, (BATCH, FEAT_DIM), dtype=jnp.float32)
    # learned parameter: class centers (nn.Parameter in the torch module)
    centers = jax.random.normal(k3, (NUM_CLASSES, FEAT_DIM), dtype=jnp.float32)
    return {"label": label, "feat": feat, "centers": centers}

def reference(label, feat, centers):
    batch_size = feat.shape[0]
    feat = feat.reshape(batch_size, -1)
    # gather per-sample class centers (SparseCore-style gather)
    centers_batch = jnp.take(centers, label, axis=0)
    # CenterlossFunc.forward: sum of squared distances / 2 / batch_size (size_average=True)
    loss = jnp.sum((feat - centers_batch) ** 2) / 2.0 / jnp.asarray(batch_size, dtype=feat.dtype)
    return loss

if __name__ == "__main__":
    import jax
    _d = setup_inputs()
    print(jax.jit(kernel)(*tuple(_d.values())))

</pallas_src>

<mosaic_0001>
#map = affine_map<(d0, d1) -> (0)>
#map1 = affine_map<(d0, d1) -> (0, 0)>
module attributes {stable_mosaic.version = 14 : i64} {
  func.func @k(%arg0: i32, %arg1: i32, %arg2: memref<16384xi32, #tpu.memory_space<hbm>>, %arg3: memref<64x16384xf32, #tpu.memory_space<hbm>>, %arg4: memref<64x100000xf32, #tpu.memory_space<hbm>>, %arg5: memref<64x128xf32, #tpu.memory_space<hbm>>, %arg6: memref<32x128xf32, #tpu.memory_space<hbm>>, %arg7: memref<16384xi32, #tpu.memory_space<vmem>>, %arg8: memref<16384xi32, #tpu.memory_space<vmem_shared>>, %arg9: memref<4096xf32, #tpu.memory_space<vmem>>, %arg10: memref<4096xf32, #tpu.memory_space<vmem>>, %arg11: memref<100096xf32, #tpu.memory_space<vmem>>, %arg12: memref<128xf32, #tpu.memory_space<vmem>>, %arg13: memref<!tpu.dma_semaphore, #tpu.memory_space<semaphore_mem>>, %arg14: memref<!tpu.dma_semaphore, #tpu.memory_space<semaphore_mem>>, %arg15: memref<!tpu.dma_semaphore, #tpu.memory_space<semaphore_mem>>, %arg16: memref<!tpu.dma_semaphore, #tpu.memory_space<semaphore_mem>>) attributes {dimension_semantics = [#tpu.dimension_semantics<core_parallel>, #tpu.dimension_semantics<subcore_parallel>], iteration_bounds = array<i64: 2, 16>, scalar_prefetch = 0 : i64, scratch_operands = 10 : i64, tpu.core_type = #tpu.core_type<sc_vector_subcore>, window_params = [{transform_indices = #map}, {transform_indices = #map1}, {transform_indices = #map1}, {transform_indices = #map1}, {transform_indices = #map1}]} {
    %mul3A = arith.constant 2 : i32
    %mul3A_0 = arith.muli %arg1, %mul3A : i32
    %add3A = arith.addi %mul3A_0, %arg0 : i32
    %mul3A_1 = arith.constant 1024 : i32
    %mul3A_2 = arith.muli %arg1, %mul3A_1 : i32
    %mul3A_3 = arith.constant 1024 : i32
    %mul3A_4 = arith.muli %arg1, %mul3A_3 : i32
    %dma_start3A = tpu.memref_slice %arg8[%mul3A_4] : memref<16384xi32, #tpu.memory_space<vmem_shared>> -> memref<1024xi32, #tpu.memory_space<vmem_shared>>
    %dma_start3A_5 = tpu.memref_slice %arg2[%mul3A_2] : memref<16384xi32, #tpu.memory_space<hbm>> -> memref<1024xi32, #tpu.memory_space<hbm>>
    tpu.enqueue_dma source(%dma_start3A_5 : memref<1024xi32, #tpu.memory_space<hbm>>) target(%dma_start3A : memref<1024xi32, #tpu.memory_space<vmem_shared>>) target_semaphore(%arg13 : memref<!tpu.dma_semaphore, #tpu.memory_space<semaphore_mem>>)
    %mul3A_6 = arith.constant 2 : i32
    %mul3A_7 = arith.muli %add3A, %mul3A_6 : i32
    %add3A_8 = arith.constant 0 : i32
    %add3A_9 = arith.addi %mul3A_7, %add3A_8 : i32
    %dma_start3A_10 = arith.constant 0 : i32
    %dma_start3A_11 = tpu.memref_slice %arg11[%dma_start3A_10] : memref<100096xf32, #tpu.memory_space<vmem>> -> memref<25088xf32, #tpu.memory_space<vmem>>
    %dma_start3A_12 = arith.constant 0 : i32
    %dma_start3A_13 = tpu.memref_slice %arg4[%add3A_9, %dma_start3A_12] : memref<64x100000xf32, #tpu.memory_space<hbm>> -> memref<1x25088xf32, #tpu.memory_space<hbm>>
    %dma_start3A_14 = tpu.memref_squeeze %dma_start3A_13 : memref<1x25088xf32, #tpu.memory_space<hbm>> -> memref<25088xf32, #tpu.memory_space<hbm>>
    %dma_start3A_15 = arith.constant 0 : i32
    %dma_start3A_16 = tpu.memref_slice %arg11[%dma_start3A_15] : memref<100096xf32, #tpu.memory_space<vmem>> -> memref<25088xf32, #tpu.memory_space<vmem>>
    %dma_start3A_17 = arith.constant 0 : i32
    %dma_start3A_18 = tpu.memref_slice %arg4[%add3A_9, %dma_start3A_17] : memref<64x100000xf32, #tpu.memory_space<hbm>> -> memref<1x25088xf32, #tpu.memory_space<hbm>>
    %dma_start3A_19 = tpu.memref_squeeze %dma_start3A_18 : memref<1x25088xf32, #tpu.memory_space<hbm>> -> memref<25088xf32, #tpu.memory_space<hbm>>
    tpu.enqueue_dma source(%dma_start3A_19 : memref<25088xf32, #tpu.memory_space<hbm>>) target(%dma_start3A_16 : memref<25088xf32, #tpu.memory_space<vmem>>) target_semaphore(%arg16 : memref<!tpu.dma_semaphore, #tpu.memory_space<semaphore_mem>>)
    %dma_start3A_20 = arith.constant 25088 : i32
    %dma_start3A_21 = tpu.memref_slice %arg11[%dma_start3A_20] : memref<100096xf32, #tpu.memory_space<vmem>> -> memref<25088xf32, #tpu.memory_space<vmem>>
    %dma_start3A_22 = arith.constant 25088 : i32
    %dma_start3A_23 = tpu.memref_slice %arg4[%add3A_9, %dma_start3A_22] : memref<64x100000xf32, #tpu.memory_space<hbm>> -> memref<1x25088xf32, #tpu.memory_space<hbm>>
    %dma_start3A_24 = tpu.memref_squeeze %dma_start3A_23 : memref<1x25088xf32, #tpu.memory_space<hbm>> -> memref<25088xf32, #tpu.memory_space<hbm>>
    %dma_start3A_25 = arith.constant 25088 : i32
    %dma_start3A_26 = tpu.memref_slice %arg11[%dma_start3A_25] : memref<100096xf32, #tpu.memory_space<vmem>> -> memref<25088xf32, #tpu.memory_space<vmem>>
    %dma_start3A_27 = arith.constant 25088 : i32
    %dma_start3A_28 = tpu.memref_slice %arg4[%add3A_9, %dma_start3A_27] : memref<64x100000xf32, #tpu.memory_space<hbm>> -> memref<1x25088xf32, #tpu.memory_space<hbm>>
    %dma_start3A_29 = tpu.memref_squeeze %dma_start3A_28 : memref<1x25088xf32, #tpu.memory_space<hbm>> -> memref<25088xf32, #tpu.memory_space<hbm>>
    tpu.enqueue_dma source(%dma_start3A_29 : memref<25088xf32, #tpu.memory_space<hbm>>) target(%dma_start3A_26 : memref<25088xf32, #tpu.memory_space<vmem>>) target_semaphore(%arg16 : memref<!tpu.dma_semaphore, #tpu.memory_space<semaphore_mem>>)
    %dma_start3A_30 = arith.constant 50176 : i32
    %dma_start3A_31 = tpu.memref_slice %arg11[%dma_start3A_30] : memref<100096xf32, #tpu.memory_space<vmem>> -> memref<25088xf32, #tpu.memory_space<vmem>>
    %dma_start3A_32 = arith.constant 50176 : i32
    %dma_start3A_33 = tpu.memref_slice %arg4[%add3A_9, %dma_start3A_32] : memref<64x100000xf32, #tpu.memory_space<hbm>> -> memref<1x25088xf32, #tpu.memory_space<hbm>>
    %dma_start3A_34 = tpu.memref_squeeze %dma_start3A_33 : memref<1x25088xf32, #tpu.memory_space<hbm>> -> memref<25088xf32, #tpu.memory_space<hbm>>
    %dma_start3A_35 = arith.constant 50176 : i32
    %dma_start3A_36 = tpu.memref_slice %arg11[%dma_start3A_35] : memref<100096xf32, #tpu.memory_space<vmem>> -> memref<25088xf32, #tpu.memory_space<vmem>>
    %dma_start3A_37 = arith.constant 50176 : i32
    %dma_start3A_38 = tpu.memref_slice %arg4[%add3A_9, %dma_start3A_37] : memref<64x100000xf32, #tpu.memory_space<hbm>> -> memref<1x25088xf32, #tpu.memory_space<hbm>>
    %dma_start3A_39 = tpu.memref_squeeze %dma_start3A_38 : memref<1x25088xf32, #tpu.memory_space<hbm>> -> memref<25088xf32, #tpu.memory_space<hbm>>
    tpu.enqueue_dma source(%dma_start3A_39 : memref<25088xf32, #tpu.memory_space<hbm>>) target(%dma_start3A_36 : memref<25088xf32, #tpu.memory_space<vmem>>) target_semaphore(%arg16 : memref<!tpu.dma_semaphore, #tpu.memory_space<semaphore_mem>>)
    %dma_start3A_40 = arith.constant 75264 : i32
    %dma_start3A_41 = tpu.memref_slice %arg11[%dma_start3A_40] : memref<100096xf32, #tpu.memory_space<vmem>> -> memref<24704xf32, #tpu.memory_space<vmem>>
    %dma_start3A_42 = arith.constant 75264 : i32
    %dma_start3A_43 = tpu.memref_slice %arg4[%add3A_9, %dma_start3A_42] : memref<64x100000xf32, #tpu.memory_space<hbm>> -> memref<1x24704xf32, #tpu.memory_space<hbm>>
    %dma_start3A_44 = tpu.memref_squeeze %dma_start3A_43 : memref<1x24704xf32, #tpu.memory_space<hbm>> -> memref<24704xf32, #tpu.memory_space<hbm>>
    %dma_start3A_45 = arith.constant 75264 : i32
    %dma_start3A_46 = tpu.memref_slice %arg11[%dma_start3A_45] : memref<100096xf32, #tpu.memory_space<vmem>> -> memref<24704xf32, #tpu.memory_space<vmem>>
    %dma_start3A_47 = arith.constant 75264 : i32
    %dma_start3A_48 = tpu.memref_slice %arg4[%add3A_9, %dma_start3A_47] : memref<64x100000xf32, #tpu.memory_space<hbm>> -> memref<1x24704xf32, #tpu.memory_space<hbm>>
    %dma_start3A_49 = tpu.memref_squeeze %dma_start3A_48 : memref<1x24704xf32, #tpu.memory_space<hbm>> -> memref<24704xf32, #tpu.memory_space<hbm>>
    tpu.enqueue_dma source(%dma_start3A_49 : memref<24704xf32, #tpu.memory_space<hbm>>) target(%dma_start3A_46 : memref<24704xf32, #tpu.memory_space<vmem>>) target_semaphore(%arg16 : memref<!tpu.dma_semaphore, #tpu.memory_space<semaphore_mem>>)
    %dma_start3A_50 = arith.constant 99968 : i32
    %dma_start3A_51 = tpu.memref_slice %arg11[%dma_start3A_50] : memref<100096xf32, #tpu.memory_space<vmem>> -> memref<128xf32, #tpu.memory_space<vmem>>
    %dma_start3A_52 = arith.constant 0 : i32
    %dma_start3A_53 = tpu.memref_slice %arg5[%add3A_9, %dma_start3A_52] : memref<64x128xf32, #tpu.memory_space<hbm>> -> memref<1x128xf32, #tpu.memory_space<hbm>>
    %dma_start3A_54 = tpu.memref_squeeze %dma_start3A_53 : memref<1x128xf32, #tpu.memory_space<hbm>> -> memref<128xf32, #tpu.memory_space<hbm>>
    %dma_start3A_55 = arith.constant 99968 : i32
    %dma_start3A_56 = tpu.memref_slice %arg11[%dma_start3A_55] : memref<100096xf32, #tpu.memory_space<vmem>> -> memref<128xf32, #tpu.memory_space<vmem>>
    %dma_start3A_57 = arith.constant 0 : i32
    %dma_start3A_58 = tpu.memref_slice %arg5[%add3A_9, %dma_start3A_57] : memref<64x128xf32, #tpu.memory_space<hbm>> -> memref<1x128xf32, #tpu.memory_space<hbm>>
    %dma_start3A_59 = tpu.memref_squeeze %dma_start3A_58 : memref<1x128xf32, #tpu.memory_space<hbm>> -> memref<128xf32, #tpu.memory_space<hbm>>
    tpu.enqueue_dma source(%dma_start3A_59 : memref<128xf32, #tpu.memory_space<hbm>>) target(%dma_start3A_56 : memref<128xf32, #tpu.memory_space<vmem>>) target_semaphore(%arg16 : memref<!tpu.dma_semaphore, #tpu.memory_space<semaphore_mem>>)
    %mul3A_60 = arith.constant 2 : i32
    %mul3A_61 = arith.muli %add3A, %mul3A_60 : i32
    %add3A_62 = arith.constant 0 : i32
    %add3A_63 = arith.addi %mul3A_61, %add3A_62 : i32
    %dma_start3A_64 = arith.constant 0 : i32
    %dma_start3A_65 = tpu.memref_slice %arg3[%add3A_63, %dma_start3A_64] : memref<64x16384xf32, #tpu.memory_space<hbm>> -> memref<1x4096xf32, #tpu.memory_space<hbm>>
    %dma_start3A_66 = tpu.memref_squeeze %dma_start3A_65 : memref<1x4096xf32, #tpu.memory_space<hbm>> -> memref<4096xf32, #tpu.memory_space<hbm>>
    %dma_start3A_67 = arith.constant 0 : i32
    %dma_start3A_68 = tpu.memref_slice %arg3[%add3A_63, %dma_start3A_67] : memref<64x16384xf32, #tpu.memory_space<hbm>> -> memref<1x4096xf32, #tpu.memory_space<hbm>>
    %dma_start3A_69 = tpu.memref_squeeze %dma_start3A_68 : memref<1x4096xf32, #tpu.memory_space<hbm>> -> memref<4096xf32, #tpu.memory_space<hbm>>
    tpu.enqueue_dma source(%dma_start3A_69 : memref<4096xf32, #tpu.memory_space<hbm>>) target(%arg9 : memref<4096xf32, #tpu.memory_space<vmem>>) target_semaphore(%arg14 : memref<!tpu.dma_semaphore, #tpu.memory_space<semaphore_mem>>)
    %dma_wait3A = tpu.memref_slice %arg8[%mul3A_4] : memref<16384xi32, #tpu.memory_space<vmem_shared>> -> memref<1024xi32, #tpu.memory_space<vmem_shared>>
    %dma_wait3A_70 = tpu.memref_slice %arg2[%mul3A_2] : memref<16384xi32, #tpu.memory_space<hbm>> -> memref<1024xi32, #tpu.memory_space<hbm>>
    tpu.wait_dma2 semaphore(%arg13 : memref<!tpu.dma_semaphore, #tpu.memory_space<semaphore_mem>>) src(%dma_wait3A_70 : memref<1024xi32, #tpu.memory_space<hbm>>) dst(%dma_wait3A : memref<1024xi32, #tpu.memory_space<vmem_shared>>)
    %barrier3A = arith.constant 0 : index
    tpu.barrier barrier_id(%barrier3A)
    "tpu.region"() ({
      %run_scoped3A = tpu.sem_alloc : memref<!tpu.dma_semaphore, #tpu.memory_space<semaphore_mem>>
      tpu.enqueue_dma source(%arg8 : memref<16384xi32, #tpu.memory_space<vmem_shared>>) target(%arg7 : memref<16384xi32, #tpu.memory_space<vmem>>) target_semaphore(%run_scoped3A : memref<!tpu.dma_semaphore, #tpu.memory_space<semaphore_mem>>)
      tpu.wait_dma2 semaphore(%run_scoped3A : memref<!tpu.dma_semaphore, #tpu.memory_space<semaphore_mem>>) src(%arg8 : memref<16384xi32, #tpu.memory_space<vmem_shared>>) dst(%arg7 : memref<16384xi32, #tpu.memory_space<vmem>>)
      tpu.yield
    }) : () -> ()
    %broadcast_in_dim3A = arith.constant 0.000000e+00 : f32
    %broadcast_in_dim3A_71 = vector.broadcast %broadcast_in_dim3A : f32 to vector<16xf32>
    %dma_wait3A_72 = arith.constant 0 : i32
    %dma_wait3A_73 = tpu.memref_slice %arg11[%dma_wait3A_72] : memref<100096xf32, #tpu.memory_space<vmem>> -> memref<25088xf32, #tpu.memory_space<vmem>>
    %dma_wait3A_74 = arith.constant 0 : i32
    %dma_wait3A_75 = tpu.memref_slice %arg4[%add3A_9, %dma_wait3A_74] : memref<64x100000xf32, #tpu.memory_space<hbm>> -> memref<1x25088xf32, #tpu.memory_space<hbm>>
    %dma_wait3A_76 = tpu.memref_squeeze %dma_wait3A_75 : memref<1x25088xf32, #tpu.memory_space<hbm>> -> memref<25088xf32, #tpu.memory_space<hbm>>
    %dma_wait3A_77 = arith.constant 0 : i32
    %dma_wait3A_78 = tpu.memref_slice %arg11[%dma_wait3A_77] : memref<100096xf32, #tpu.memory_space<vmem>> -> memref<25088xf32, #tpu.memory_space<vmem>>
    %dma_wait3A_79 = arith.constant 0 : i32
    %dma_wait3A_80 = tpu.memref_slice %arg4[%add3A_9, %dma_wait3A_79] : memref<64x100000xf32, #tpu.memory_space<hbm>> -> memref<1x25088xf32, #tpu.memory_space<hbm>>
    %dma_wait3A_81 = tpu.memref_squeeze %dma_wait3A_80 : memref<1x25088xf32, #tpu.memory_space<hbm>> -> memref<25088xf32, #tpu.memory_space<hbm>>
    tpu.wait_dma2 semaphore(%arg16 : memref<!tpu.dma_semaphore, #tpu.memory_space<semaphore_mem>>) src(%dma_wait3A_81 : memref<25088xf32, #tpu.memory_space<hbm>>) dst(%dma_wait3A_78 : memref<25088xf32, #tpu.memory_space<vmem>>)
    %dma_wait3A_82 = arith.constant 25088 : i32
    %dma_wait3A_83 = tpu.memref_slice %arg11[%dma_wait3A_82] : memref<100096xf32, #tpu.memory_space<vmem>> -> memref<25088xf32, #tpu.memory_space<vmem>>
    %dma_wait3A_84 = arith.constant 25088 : i32
    %dma_wait3A_85 = tpu.memref_slice %arg4[%add3A_9, %dma_wait3A_84] : memref<64x100000xf32, #tpu.memory_space<hbm>> -> memref<1x25088xf32, #tpu.memory_space<hbm>>
    %dma_wait3A_86 = tpu.memref_squeeze %dma_wait3A_85 : memref<1x25088xf32, #tpu.memory_space<hbm>> -> memref<25088xf32, #tpu.memory_space<hbm>>
    %dma_wait3A_87 = arith.constant 25088 : i32
    %dma_wait3A_88 = tpu.memref_slice %arg11[%dma_wait3A_87] : memref<100096xf32, #tpu.memory_space<vmem>> -> memref<25088xf32, #tpu.memory_space<vmem>>
    %dma_wait3A_89 = arith.constant 25088 : i32
    %dma_wait3A_90 = tpu.memref_slice %arg4[%add3A_9, %dma_wait3A_89] : memref<64x100000xf32, #tpu.memory_space<hbm>> -> memref<1x25088xf32, #tpu.memory_space<hbm>>
    %dma_wait3A_91 = tpu.memref_squeeze %dma_wait3A_90 : memref<1x25088xf32, #tpu.memory_space<hbm>> -> memref<25088xf32, #tpu.memory_space<hbm>>
    tpu.wait_dma2 semaphore(%arg16 : memref<!tpu.dma_semaphore, #tpu.memory_space<semaphore_mem>>) src(%dma_wait3A_91 : memref<25088xf32, #tpu.memory_space<hbm>>) dst(%dma_wait3A_88 : memref<25088xf32, #tpu.memory_space<vmem>>)
    %dma_wait3A_92 = arith.constant 50176 : i32
    %dma_wait3A_93 = tpu.memref_slice %arg11[%dma_wait3A_92] : memref<100096xf32, #tpu.memory_space<vmem>> -> memref<25088xf32, #tpu.memory_space<vmem>>
    %dma_wait3A_94 = arith.constant 50176 : i32
    %dma_wait3A_95 = tpu.memref_slice %arg4[%add3A_9, %dma_wait3A_94] : memref<64x100000xf32, #tpu.memory_space<hbm>> -> memref<1x25088xf32, #tpu.memory_space<hbm>>
    %dma_wait3A_96 = tpu.memref_squeeze %dma_wait3A_95 : memref<1x25088xf32, #tpu.memory_space<hbm>> -> memref<25088xf32, #tpu.memory_space<hbm>>
    %dma_wait3A_97 = arith.constant 50176 : i32
    %dma_wait3A_98 = tpu.memref_slice %arg11[%dma_wait3A_97] : memref<100096xf32, #tpu.memory_space<vmem>> -> memref<25088xf32, #tpu.memory_space<vmem>>
    %dma_wait3A_99 = arith.constant 50176 : i32
    %dma_wait3A_100 = tpu.memref_slice %arg4[%add3A_9, %dma_wait3A_99] : memref<64x100000xf32, #tpu.memory_space<hbm>> -> memref<1x25088xf32, #tpu.memory_space<hbm>>
    %dma_wait3A_101 = tpu.memref_squeeze %dma_wait3A_100 : memref<1x25088xf32, #tpu.memory_space<hbm>> -> memref<25088xf32, #tpu.memory_space<hbm>>
    tpu.wait_dma2 semaphore(%arg16 : memref<!tpu.dma_semaphore, #tpu.memory_space<semaphore_mem>>) src(%dma_wait3A_101 : memref<25088xf32, #tpu.memory_space<hbm>>) dst(%dma_wait3A_98 : memref<25088xf32, #tpu.memory_space<vmem>>)
    %dma_wait3A_102 = arith.constant 75264 : i32
    %dma_wait3A_103 = tpu.memref_slice %arg11[%dma_wait3A_102] : memref<100096xf32, #tpu.memory_space<vmem>> -> memref<24704xf32, #tpu.memory_space<vmem>>
    %dma_wait3A_104 = arith.constant 75264 : i32
    %dma_wait3A_105 = tpu.memref_slice %arg4[%add3A_9, %dma_wait3A_104] : memref<64x100000xf32, #tpu.memory_space<hbm>> -> memref<1x24704xf32, #tpu.memory_space<hbm>>
    %dma_wait3A_106 = tpu.memref_squeeze %dma_wait3A_105 : memref<1x24704xf32, #tpu.memory_space<hbm>> -> memref<24704xf32, #tpu.memory_space<hbm>>
    %dma_wait3A_107 = arith.constant 75264 : i32
    %dma_wait3A_108 = tpu.memref_slice %arg11[%dma_wait3A_107] : memref<100096xf32, #tpu.memory_space<vmem>> -> memref<24704xf32, #tpu.memory_space<vmem>>
    %dma_wait3A_109 = arith.constant 75264 : i32
    %dma_wait3A_110 = tpu.memref_slice %arg4[%add3A_9, %dma_wait3A_109] : memref<64x100000xf32, #tpu.memory_space<hbm>> -> memref<1x24704xf32, #tpu.memory_space<hbm>>
    %dma_wait3A_111 = tpu.memref_squeeze %dma_wait3A_110 : memref<1x24704xf32, #tpu.memory_space<hbm>> -> memref<24704xf32, #tpu.memory_space<hbm>>
    tpu.wait_dma2 semaphore(%arg16 : memref<!tpu.dma_semaphore, #tpu.memory_space<semaphore_mem>>) src(%dma_wait3A_111 : memref<24704xf32, #tpu.memory_space<hbm>>) dst(%dma_wait3A_108 : memref<24704xf32, #tpu.memory_space<vmem>>)
    %dma_wait3A_112 = arith.constant 99968 : i32
    %dma_wait3A_113 = tpu.memref_slice %arg11[%dma_wait3A_112] : memref<100096xf32, #tpu.memory_space<vmem>> -> memref<128xf32, #tpu.memory_space<vmem>>
    %dma_wait3A_114 = arith.constant 0 : i32
    %dma_wait3A_115 = tpu.memref_slice %arg5[%add3A_9, %dma_wait3A_114] : memref<64x128xf32, #tpu.memory_space<hbm>> -> memref<1x128xf32, #tpu.memory_space<hbm>>
    %dma_wait3A_116 = tpu.memref_squeeze %dma_wait3A_115 : memref<1x128xf32, #tpu.memory_space<hbm>> -> memref<128xf32, #tpu.memory_space<hbm>>
    %dma_wait3A_117 = arith.constant 99968 : i32
    %dma_wait3A_118 = tpu.memref_slice %arg11[%dma_wait3A_117] : memref<100096xf32, #tpu.memory_space<vmem>> -> memref<128xf32, #tpu.memory_space<vmem>>
    %dma_wait3A_119 = arith.constant 0 : i32
    %dma_wait3A_120 = tpu.memref_slice %arg5[%add3A_9, %dma_wait3A_119] : memref<64x128xf32, #tpu.memory_space<hbm>> -> memref<1x128xf32, #tpu.memory_space<hbm>>
    %dma_wait3A_121 = tpu.memref_squeeze %dma_wait3A_120 : memref<1x128xf32, #tpu.memory_space<hbm>> -> memref<128xf32, #tpu.memory_space<hbm>>
    tpu.wait_dma2 semaphore(%arg16 : memref<!tpu.dma_semaphore, #tpu.memory_space<semaphore_mem>>) src(%dma_wait3A_121 : memref<128xf32, #tpu.memory_space<hbm>>) dst(%dma_wait3A_118 : memref<128xf32, #tpu.memory_space<vmem>>)
    %dma_wait3A_122 = arith.constant 0 : i32
    %dma_wait3A_123 = tpu.memref_slice %arg3[%add3A_63, %dma_wait3A_122] : memref<64x16384xf32, #tpu.memory_space<hbm>> -> memref<1x4096xf32, #tpu.memory_space<hbm>>
    %dma_wait3A_124 = tpu.memref_squeeze %dma_wait3A_123 : memref<1x4096xf32, #tpu.memory_space<hbm>> -> memref<4096xf32, #tpu.memory_space<hbm>>
    %dma_wait3A_125 = arith.constant 0 : i32
    %dma_wait3A_126 = tpu.memref_slice %arg3[%add3A_63, %dma_wait3A_125] : memref<64x16384xf32, #tpu.memory_space<hbm>> -> memref<1x4096xf32, #tpu.memory_space<hbm>>
    %dma_wait3A_127 = tpu.memref_squeeze %dma_wait3A_126 : memref<1x4096xf32, #tpu.memory_space<hbm>> -> memref<4096xf32, #tpu.memory_space<hbm>>
    tpu.wait_dma2 semaphore(%arg14 : memref<!tpu.dma_semaphore, #tpu.memory_space<semaphore_mem>>) src(%dma_wait3A_127 : memref<4096xf32, #tpu.memory_space<hbm>>) dst(%arg9 : memref<4096xf32, #tpu.memory_space<vmem>>)
    %mul3A_128 = arith.constant 2 : i32
    %mul3A_129 = arith.muli %add3A, %mul3A_128 : i32
    %add3A_130 = arith.constant 0 : i32
    %add3A_131 = arith.addi %mul3A_129, %add3A_130 : i32
    %dma_start3A_132 = arith.constant 4096 : i32
    %dma_start3A_133 = tpu.memref_slice %arg3[%add3A_131, %dma_start3A_132] : memref<64x16384xf32, #tpu.memory_space<hbm>> -> memref<1x4096xf32, #tpu.memory_space<hbm>>
    %dma_start3A_134 = tpu.memref_squeeze %dma_start3A_133 : memref<1x4096xf32, #tpu.memory_space<hbm>> -> memref<4096xf32, #tpu.memory_space<hbm>>
    %dma_start3A_135 = arith.constant 4096 : i32
    %dma_start3A_136 = tpu.memref_slice %arg3[%add3A_131, %dma_start3A_135] : memref<64x16384xf32, #tpu.memory_space<hbm>> -> memref<1x4096xf32, #tpu.memory_space<hbm>>
    %dma_start3A_137 = tpu.memref_squeeze %dma_start3A_136 : memref<1x4096xf32, #tpu.memory_space<hbm>> -> memref<4096xf32, #tpu.memory_space<hbm>>
    tpu.enqueue_dma source(%dma_start3A_137 : memref<4096xf32, #tpu.memory_space<hbm>>) target(%arg10 : memref<4096xf32, #tpu.memory_space<vmem>>) target_semaphore(%arg15 : memref<!tpu.dma_semaphore, #tpu.memory_space<semaphore_mem>>)
    %scan3A = arith.constant 0 : i32
    %scan3A_138 = arith.constant 256 : i32
    %scan3A_139 = arith.addi %scan3A, %scan3A_138 : i32
    %scan3A_140 = arith.constant 8 : i32
    %scan3A_141 = scf.for %scan3A_410 = %scan3A to %scan3A_139 step %scan3A_140 iter_args(%scan3A_411 = %broadcast_in_dim3A_71) -> (vector<16xf32>)  : i32 {
      %mul3A_412 = arith.constant 16 : i32
      %mul3A_413 = arith.muli %scan3A_410, %mul3A_412 : i32
      %add3A_414 = arith.constant 0 : i32
      %add3A_415 = arith.addi %add3A_414, %mul3A_413 : i32
      %get3A = arith.index_cast %add3A_415 : i32 to index
      %get3A_416 = tpu.vector_load %arg7[%get3A] {strides = array<i32>} : memref<16384xi32, #tpu.memory_space<vmem>>, vector<16xi32>,
      %gather3A = tpu.vector_load_idx %arg11[%get3A_416] : memref<100096xf32, #tpu.memory_space<vmem>>[vector<16xi32>], vector<16xf32>,
      %get3A_417 = arith.index_cast %mul3A_413 : i32 to index
      %get3A_418 = tpu.vector_load %arg9[%get3A_417] {strides = array<i32>} : memref<4096xf32, #tpu.memory_space<vmem>>, vector<16xf32>,
      %sub3A = arith.subf %get3A_418, %gather3A : vector<16xf32>
      %mul3A_419 = arith.mulf %sub3A, %sub3A : vector<16xf32>
      %add3A_420 = arith.addf %scan3A_411, %mul3A_419 : vector<16xf32>
      %scan3A_421 = arith.constant 1 : i32
      %scan3A_422 = arith.addi %scan3A_410, %scan3A_421 : i32
      %mul3A_423 = arith.constant 16 : i32
      %mul3A_424 = arith.muli %scan3A_422, %mul3A_423 : i32
      %add3A_425 = arith.constant 0 : i32
      %add3A_426 = arith.addi %add3A_425, %mul3A_424 : i32
      %get3A_427 = arith.index_cast %add3A_426 : i32 to index
      %get3A_428 = tpu.vector_load %arg7[%get3A_427] {strides = array<i32>} : memref<16384xi32, #tpu.memory_space<vmem>>, vector<16xi32>,
      %gather3A_429 = tpu.vector_load_idx %arg11[%get3A_428] : memref<100096xf32, #tpu.memory_space<vmem>>[vector<16xi32>], vector<16xf32>,
      %get3A_430 = arith.index_cast %mul3A_424 : i32 to index
      %get3A_431 = tpu.vector_load %arg9[%get3A_430] {strides = array<i32>} : memref<4096xf32, #tpu.memory_space<vmem>>, vector<16xf32>,
      %sub3A_432 = arith.subf %get3A_431, %gather3A_429 : vector<16xf32>
      %mul3A_433 = arith.mulf %sub3A_432, %sub3A_432 : vector<16xf32>
      %add3A_434 = arith.addf %add3A_420, %mul3A_433 : vector<16xf32>
      %scan3A_435 = arith.constant 2 : i32
      %scan3A_436 = arith.addi %scan3A_410, %scan3A_435 : i32
      %mul3A_437 = arith.constant 16 : i32
      %mul3A_438 = arith.muli %scan3A_436, %mul3A_437 : i32
      %add3A_439 = arith.constant 0 : i32
      %add3A_440 = arith.addi %add3A_439, %mul3A_438 : i32
      %get3A_441 = arith.index_cast %add3A_440 : i32 to index
      %get3A_442 = tpu.vector_load %arg7[%get3A_441] {strides = array<i32>} : memref<16384xi32, #tpu.memory_space<vmem>>, vector<16xi32>,
      %gather3A_443 = tpu.vector_load_idx %arg11[%get3A_442] : memref<100096xf32, #tpu.memory_space<vmem>>[vector<16xi32>], vector<16xf32>,
      %get3A_444 = arith.index_cast %mul3A_438 : i32 to index
      %get3A_445 = tpu.vector_load %arg9[%get3A_444] {strides = array<i32>} : memref<4096xf32, #tpu.memory_space<vmem>>, vector<16xf32>,
      %sub3A_446 = arith.subf %get3A_445, %gather3A_443 : vector<16xf32>
      %mul3A_447 = arith.mulf %sub3A_446, %sub3A_446 : vector<16xf32>
      %add3A_448 = arith.addf %add3A_434, %mul3A_447 : vector<16xf32>
      %scan3A_449 = arith.constant 3 : i32
      %scan3A_450 = arith.addi %scan3A_410, %scan3A_449 : i32
      %mul3A_451 = arith.constant 16 : i32
      %mul3A_452 = arith.muli %scan3A_450, %mul3A_451 : i32
      %add3A_453 = arith.constant 0 : i32
      %add3A_454 = arith.addi %add3A_453, %mul3A_452 : i32
      %get3A_455 = arith.index_cast %add3A_454 : i32 to index
      %get3A_456 = tpu.vector_load %arg7[%get3A_455] {strides = array<i32>} : memref<16384xi32, #tpu.memory_space<vmem>>, vector<16xi32>,
      %gather3A_457 = tpu.vector_load_idx %arg11[%get3A_456] : memref<100096xf32, #tpu.memory_space<vmem>>[vector<16xi32>], vector<16xf32>,
      %get3A_458 = arith.index_cast %mul3A_452 : i32 to index
      %get3A_459 = tpu.vector_load %arg9[%get3A_458] {strides = array<i32>} : memref<4096xf32, #tpu.memory_space<vmem>>, vector<16xf32>,
      %sub3A_460 = arith.subf %get3A_459, %gather3A_457 : vector<16xf32>
      %mul3A_461 = arith.mulf %sub3A_460, %sub3A_460 : vector<16xf32>
      %add3A_462 = arith.addf %add3A_448, %mul3A_461 : vector<16xf32>
      %scan3A_463 = arith.constant 4 : i32
      %scan3A_464 = arith.addi %scan3A_410, %scan3A_463 : i32
      %mul3A_465 = arith.constant 16 : i32
      %mul3A_466 = arith.muli %scan3A_464, %mul3A_465 : i32
      %add3A_467 = arith.constant 0 : i32
      %add3A_468 = arith.addi %add3A_467, %mul3A_466 : i32
      %get3A_469 = arith.index_cast %add3A_468 : i32 to index
      %get3A_470 = tpu.vector_load %arg7[%get3A_469] {strides = array<i32>} : memref<16384xi32, #tpu.memory_space<vmem>>, vector<16xi32>,
      %gather3A_471 = tpu.vector_load_idx %arg11[%get3A_470] : memref<100096xf32, #tpu.memory_space<vmem>>[vector<16xi32>], vector<16xf32>,
      %get3A_472 = arith.index_cast %mul3A_466 : i32 to index
      %get3A_473 = tpu.vector_load %arg9[%get3A_472] {strides = array<i32>} : memref<4096xf32, #tpu.memory_space<vmem>>, vector<16xf32>,
      %sub3A_474 = arith.subf %get3A_473, %gather3A_471 : vector<16xf32>
      %mul3A_475 = arith.mulf %sub3A_474, %sub3A_474 : vector<16xf32>
      %add3A_476 = arith.addf %add3A_462, %mul3A_475 : vector<16xf32>
      %scan3A_477 = arith.constant 5 : i32
      %scan3A_478 = arith.addi %scan3A_410, %scan3A_477 : i32
      %mul3A_479 = arith.constant 16 : i32
      %mul3A_480 = arith.muli %scan3A_478, %mul3A_479 : i32
      %add3A_481 = arith.constant 0 : i32
      %add3A_482 = arith.addi %add3A_481, %mul3A_480 : i32
      %get3A_483 = arith.index_cast %add3A_482 : i32 to index
      %get3A_484 = tpu.vector_load %arg7[%get3A_483] {strides = array<i32>} : memref<16384xi32, #tpu.memory_space<vmem>>, vector<16xi32>,
      %gather3A_485 = tpu.vector_load_idx %arg11[%get3A_484] : memref<100096xf32, #tpu.memory_space<vmem>>[vector<16xi32>], vector<16xf32>,
      %get3A_486 = arith.index_cast %mul3A_480 : i32 to index
      %get3A_487 = tpu.vector_load %arg9[%get3A_486] {strides = array<i32>} : memref<4096xf32, #tpu.memory_space<vmem>>, vector<16xf32>,
      %sub3A_488 = arith.subf %get3A_487, %gather3A_485 : vector<16xf32>
      %mul3A_489 = arith.mulf %sub3A_488, %sub3A_488 : vector<16xf32>
      %add3A_490 = arith.addf %add3A_476, %mul3A_489 : vector<16xf32>
      %scan3A_491 = arith.constant 6 : i32
      %scan3A_492 = arith.addi %scan3A_410, %scan3A_491 : i32
      %mul3A_493 = arith.constant 16 : i32
      %mul3A_494 = arith.muli %scan3A_492, %mul3A_493 : i32
      %add3A_495 = arith.constant 0 : i32
      %add3A_496 = arith.addi %add3A_495, %mul3A_494 : i32
      %get3A_497 = arith.index_cast %add3A_496 : i32 to index
      %get3A_498 = tpu.vector_load %arg7[%get3A_497] {strides = array<i32>} : memref<16384xi32, #tpu.memory_space<vmem>>, vector<16xi32>,
      %gather3A_499 = tpu.vector_load_idx %arg11[%get3A_498] : memref<100096xf32, #tpu.memory_space<vmem>>[vector<16xi32>], vector<16xf32>,
      %get3A_500 = arith.index_cast %mul3A_494 : i32 to index
      %get3A_501 = tpu.vector_load %arg9[%get3A_500] {strides = array<i32>} : memref<4096xf32, #tpu.memory_space<vmem>>, vector<16xf32>,
      %sub3A_502 = arith.subf %get3A_501, %gather3A_499 : vector<16xf32>
      %mul3A_503 = arith.mulf %sub3A_502, %sub3A_502 : vector<16xf32>
      %add3A_504 = arith.addf %add3A_490, %mul3A_503 : vector<16xf32>
      %scan3A_505 = arith.constant 7 : i32
      %scan3A_506 = arith.addi %scan3A_410, %scan3A_505 : i32
      %mul3A_507 = arith.constant 16 : i32
      %mul3A_508 = arith.muli %scan3A_506, %mul3A_507 : i32
      %add3A_509 = arith.constant 0 : i32
      %add3A_510 = arith.addi %add3A_509, %mul3A_508 : i32
      %get3A_511 = arith.index_cast %add3A_510 : i32 to index
      %get3A_512 = tpu.vector_load %arg7[%get3A_511] {strides = array<i32>} : memref<16384xi32, #tpu.memory_space<vmem>>, vector<16xi32>,
      %gather3A_513 = tpu.vector_load_idx %arg11[%get3A_512] : memref<100096xf32, #tpu.memory_space<vmem>>[vector<16xi32>], vector<16xf32>,
      %get3A_514 = arith.index_cast %mul3A_508 : i32 to index
      %get3A_515 = tpu.vector_load %arg9[%get3A_514] {strides = array<i32>} : memref<4096xf32, #tpu.memory_space<vmem>>, vector<16xf32>,
      %sub3A_516 = arith.subf %get3A_515, %gather3A_513 : vector<16xf32>
      %mul3A_517 = arith.mulf %sub3A_516, %sub3A_516 : vector<16xf32>
      %add3A_518 = arith.addf %add3A_504, %mul3A_517 : vector<16xf32>
      scf.yield %add3A_518 : vector<16xf32>
    }
    %scan3A_142 = arith.constant 256 : i32
    %dma_wait3A_143 = arith.constant 4096 : i32
    %dma_wait3A_144 = tpu.memref_slice %arg3[%add3A_131, %dma_wait3A_143] : memref<64x16384xf32, #tpu.memory_space<hbm>> -> memref<1x4096xf32, #tpu.memory_space<hbm>>
    %dma_wait3A_145 = tpu.memref_squeeze %dma_wait3A_144 : memref<1x4096xf32, #tpu.memory_space<hbm>> -> memref<4096xf32, #tpu.memory_space<hbm>>
    %dma_wait3A_146 = arith.constant 4096 : i32
    %dma_wait3A_147 = tpu.memref_slice %arg3[%add3A_131, %dma_wait3A_146] : memref<64x16384xf32, #tpu.memory_space<hbm>> -> memref<1x4096xf32, #tpu.memory_space<hbm>>
    %dma_wait3A_148 = tpu.memref_squeeze %dma_wait3A_147 : memref<1x4096xf32, #tpu.memory_space<hbm>> -> memref<4096xf32, #tpu.memory_space<hbm>>
    tpu.wait_dma2 semaphore(%arg15 : memref<!tpu.dma_semaphore, #tpu.memory_space<semaphore_mem>>) src(%dma_wait3A_148 : memref<4096xf32, #tpu.memory_space<hbm>>) dst(%arg10 : memref<4096xf32, #tpu.memory_space<vmem>>)
    %mul3A_149 = arith.constant 2 : i32
    %mul3A_150 = arith.muli %add3A, %mul3A_149 : i32
    %add3A_151 = arith.constant 0 : i32
    %add3A_152 = arith.addi %mul3A_150, %add3A_151 : i32
    %dma_start3A_153 = arith.constant 8192 : i32
    %dma_start3A_154 = tpu.memref_slice %arg3[%add3A_152, %dma_start3A_153] : memref<64x16384xf32, #tpu.memory_space<hbm>> -> memref<1x4096xf32, #tpu.memory_space<hbm>>
    %dma_start3A_155 = tpu.memref_squeeze %dma_start3A_154 : memref<1x4096xf32, #tpu.memory_space<hbm>> -> memref<4096xf32, #tpu.memory_space<hbm>>
    %dma_start3A_156 = arith.constant 8192 : i32
    %dma_start3A_157 = tpu.memref_slice %arg3[%add3A_152, %dma_start3A_156] : memref<64x16384xf32, #tpu.memory_space<hbm>> -> memref<1x4096xf32, #tpu.memory_space<hbm>>
    %dma_start3A_158 = tpu.memref_squeeze %dma_start3A_157 : memref<1x4096xf32, #tpu.memory_space<hbm>> -> memref<4096xf32, #tpu.memory_space<hbm>>
    tpu.enqueue_dma source(%dma_start3A_158 : memref<4096xf32, #tpu.memory_space<hbm>>) target(%arg9 : memref<4096xf32, #tpu.memory_space<vmem>>) target_semaphore(%arg14 : memref<!tpu.dma_semaphore, #tpu.memory_space<semaphore_mem>>)
    %scan3A_159 = arith.constant 0 : i32
    %scan3A_160 = arith.constant 256 : i32
    %scan3A_161 = arith.addi %scan3A_159, %scan3A_160 : i32
    %scan3A_162 = arith.constant 8 : i32
    %scan3A_163 = scf.for %scan3A_410 = %scan3A_159 to %scan3A_161 step %scan3A_162 iter_args(%scan3A_411 = %scan3A_141) -> (vector<16xf32>)  : i32 {
      %mul3A_412 = arith.constant 16 : i32
      %mul3A_413 = arith.muli %scan3A_410, %mul3A_412 : i32
      %add3A_414 = arith.constant 4096 : i32
      %add3A_415 = arith.addi %add3A_414, %mul3A_413 : i32
      %get3A = arith.index_cast %add3A_415 : i32 to index
      %get3A_416 = tpu.vector_load %arg7[%get3A] {strides = array<i32>} : memref<16384xi32, #tpu.memory_space<vmem>>, vector<16xi32>,
      %gather3A = tpu.vector_load_idx %arg11[%get3A_416] : memref<100096xf32, #tpu.memory_space<vmem>>[vector<16xi32>], vector<16xf32>,
      %get3A_417 = arith.index_cast %mul3A_413 : i32 to index
      %get3A_418 = tpu.vector_load %arg10[%get3A_417] {strides = array<i32>} : memref<4096xf32, #tpu.memory_space<vmem>>, vector<16xf32>,
      %sub3A = arith.subf %get3A_418, %gather3A : vector<16xf32>
      %mul3A_419 = arith.mulf %sub3A, %sub3A : vector<16xf32>
      %add3A_420 = arith.addf %scan3A_411, %mul3A_419 : vector<16xf32>
      %scan3A_421 = arith.constant 1 : i32
      %scan3A_422 = arith.addi %scan3A_410, %scan3A_421 : i32
      %mul3A_423 = arith.constant 16 : i32
      %mul3A_424 = arith.muli %scan3A_422, %mul3A_423 : i32
      %add3A_425 = arith.constant 4096 : i32
      %add3A_426 = arith.addi %add3A_425, %mul3A_424 : i32
      %get3A_427 = arith.index_cast %add3A_426 : i32 to index
      %get3A_428 = tpu.vector_load %arg7[%get3A_427] {strides = array<i32>} : memref<16384xi32, #tpu.memory_space<vmem>>, vector<16xi32>,
      %gather3A_429 = tpu.vector_load_idx %arg11[%get3A_428] : memref<100096xf32, #tpu.memory_space<vmem>>[vector<16xi32>], vector<16xf32>,
      %get3A_430 = arith.index_cast %mul3A_424 : i32 to index
      %get3A_431 = tpu.vector_load %arg10[%get3A_430] {strides = array<i32>} : memref<4096xf32, #tpu.memory_space<vmem>>, vector<16xf32>,
      %sub3A_432 = arith.subf %get3A_431, %gather3A_429 : vector<16xf32>
      %mul3A_433 = arith.mulf %sub3A_432, %sub3A_432 : vector<16xf32>
      %add3A_434 = arith.addf %add3A_420, %mul3A_433 : vector<16xf32>
      %scan3A_435 = arith.constant 2 : i32
      %scan3A_436 = arith.addi %scan3A_410, %scan3A_435 : i32
      %mul3A_437 = arith.constant 16 : i32
      %mul3A_438 = arith.muli %scan3A_436, %mul3A_437 : i32
      %add3A_439 = arith.constant 4096 : i32
      %add3A_440 = arith.addi %add3A_439, %mul3A_438 : i32
      %get3A_441 = arith.index_cast %add3A_440 : i32 to index
      %get3A_442 = tpu.vector_load %arg7[%get3A_441] {strides = array<i32>} : memref<16384xi32, #tpu.memory_space<vmem>>, vector<16xi32>,
      %gather3A_443 = tpu.vector_load_idx %arg11[%get3A_442] : memref<100096xf32, #tpu.memory_space<vmem>>[vector<16xi32>], vector<16xf32>,
      %get3A_444 = arith.index_cast %mul3A_438 : i32 to index
      %get3A_445 = tpu.vector_load %arg10[%get3A_444] {strides = array<i32>} : memref<4096xf32, #tpu.memory_space<vmem>>, vector<16xf32>,
      %sub3A_446 = arith.subf %get3A_445, %gather3A_443 : vector<16xf32>
      %mul3A_447 = arith.mulf %sub3A_446, %sub3A_446 : vector<16xf32>
      %add3A_448 = arith.addf %add3A_434, %mul3A_447 : vector<16xf32>
      %scan3A_449 = arith.constant 3 : i32
      %scan3A_450 = arith.addi %scan3A_410, %scan3A_449 : i32
      %mul3A_451 = arith.constant 16 : i32
      %mul3A_452 = arith.muli %scan3A_450, %mul3A_451 : i32
      %add3A_453 = arith.constant 4096 : i32
      %add3A_454 = arith.addi %add3A_453, %mul3A_452 : i32
      %get3A_455 = arith.index_cast %add3A_454 : i32 to index
      %get3A_456 = tpu.vector_load %arg7[%get3A_455] {strides = array<i32>} : memref<16384xi32, #tpu.memory_space<vmem>>, vector<16xi32>,
      %gather3A_457 = tpu.vector_load_idx %arg11[%get3A_456] : memref<100096xf32, #tpu.memory_space<vmem>>[vector<16xi32>], vector<16xf32>,
      %get3A_458 = arith.index_cast %mul3A_452 : i32 to index
      %get3A_459 = tpu.vector_load %arg10[%get3A_458] {strides = array<i32>} : memref<4096xf32, #tpu.memory_space<vmem>>, vector<16xf32>,
      %sub3A_460 = arith.subf %get3A_459, %gather3A_457 : vector<16xf32>
      %mul3A_461 = arith.mulf %sub3A_460, %sub3A_460 : vector<16xf32>
      %add3A_462 = arith.addf %add3A_448, %mul3A_461 : vector<16xf32>
      %scan3A_463 = arith.constant 4 : i32
      %scan3A_464 = arith.addi %scan3A_410, %scan3A_463 : i32
      %mul3A_465 = arith.constant 16 : i32
      %mul3A_466 = arith.muli %scan3A_464, %mul3A_465 : i32
      %add3A_467 = arith.constant 4096 : i32
      %add3A_468 = arith.addi %add3A_467, %mul3A_466 : i32
      %get3A_469 = arith.index_cast %add3A_468 : i32 to index
      %get3A_470 = tpu.vector_load %arg7[%get3A_469] {strides = array<i32>} : memref<16384xi32, #tpu.memory_space<vmem>>, vector<16xi32>,
      %gather3A_471 = tpu.vector_load_idx %arg11[%get3A_470] : memref<100096xf32, #tpu.memory_space<vmem>>[vector<16xi32>], vector<16xf32>,
      %get3A_472 = arith.index_cast %mul3A_466 : i32 to index
      %get3A_473 = tpu.vector_load %arg10[%get3A_472] {strides = array<i32>} : memref<4096xf32, #tpu.memory_space<vmem>>, vector<16xf32>,
      %sub3A_474 = arith.subf %get3A_473, %gather3A_471 : vector<16xf32>
      %mul3A_475 = arith.mulf %sub3A_474, %sub3A_474 : vector<16xf32>
      %add3A_476 = arith.addf %add3A_462, %mul3A_475 : vector<16xf32>
      %scan3A_477 = arith.constant 5 : i32
      %scan3A_478 = arith.addi %scan3A_410, %scan3A_477 : i32
      %mul3A_479 = arith.constant 16 : i32
      %mul3A_480 = arith.muli %scan3A_478, %mul3A_479 : i32
      %add3A_481 = arith.constant 4096 : i32
      %add3A_482 = arith.addi %add3A_481, %mul3A_480 : i32
      %get3A_483 = arith.index_cast %add3A_482 : i32 to index
      %get3A_484 = tpu.vector_load %arg7[%get3A_483] {strides = array<i32>} : memref<16384xi32, #tpu.memory_space<vmem>>, vector<16xi32>,
      %gather3A_485 = tpu.vector_load_idx %arg11[%get3A_484] : memref<100096xf32, #tpu.memory_space<vmem>>[vector<16xi32>], vector<16xf32>,
      %get3A_486 = arith.index_cast %mul3A_480 : i32 to index
      %get3A_487 = tpu.vector_load %arg10[%get3A_486] {strides = array<i32>} : memref<4096xf32, #tpu.memory_space<vmem>>, vector<16xf32>,
      %sub3A_488 = arith.subf %get3A_487, %gather3A_485 : vector<16xf32>
      %mul3A_489 = arith.mulf %sub3A_488, %sub3A_488 : vector<16xf32>
      %add3A_490 = arith.addf %add3A_476, %mul3A_489 : vector<16xf32>
      %scan3A_491 = arith.constant 6 : i32
      %scan3A_492 = arith.addi %scan3A_410, %scan3A_491 : i32
      %mul3A_493 = arith.constant 16 : i32
      %mul3A_494 = arith.muli %scan3A_492, %mul3A_493 : i32
      %add3A_495 = arith.constant 4096 : i32
      %add3A_496 = arith.addi %add3A_495, %mul3A_494 : i32
      %get3A_497 = arith.index_cast %add3A_496 : i32 to index
      %get3A_498 = tpu.vector_load %arg7[%get3A_497] {strides = array<i32>} : memref<16384xi32, #tpu.memory_space<vmem>>, vector<16xi32>,
      %gather3A_499 = tpu.vector_load_idx %arg11[%get3A_498] : memref<100096xf32, #tpu.memory_space<vmem>>[vector<16xi32>], vector<16xf32>,
      %get3A_500 = arith.index_cast %mul3A_494 : i32 to index
      %get3A_501 = tpu.vector_load %arg10[%get3A_500] {strides = array<i32>} : memref<4096xf32, #tpu.memory_space<vmem>>, vector<16xf32>,
      %sub3A_502 = arith.subf %get3A_501, %gather3A_499 : vector<16xf32>
      %mul3A_503 = arith.mulf %sub3A_502, %sub3A_502 : vector<16xf32>
      %add3A_504 = arith.addf %add3A_490, %mul3A_503 : vector<16xf32>
      %scan3A_505 = arith.constant 7 : i32
      %scan3A_506 = arith.addi %scan3A_410, %scan3A_505 : i32
      %mul3A_507 = arith.constant 16 : i32
      %mul3A_508 = arith.muli %scan3A_506, %mul3A_507 : i32
      %add3A_509 = arith.constant 4096 : i32
      %add3A_510 = arith.addi %add3A_509, %mul3A_508 : i32
      %get3A_511 = arith.index_cast %add3A_510 : i32 to index
      %get3A_512 = tpu.vector_load %arg7[%get3A_511] {strides = array<i32>} : memref<16384xi32, #tpu.memory_space<vmem>>, vector<16xi32>,
      %gather3A_513 = tpu.vector_load_idx %arg11[%get3A_512] : memref<100096xf32, #tpu.memory_space<vmem>>[vector<16xi32>], vector<16xf32>,
      %get3A_514 = arith.index_cast %mul3A_508 : i32 to index
      %get3A_515 = tpu.vector_load %arg10[%get3A_514] {strides = array<i32>} : memref<4096xf32, #tpu.memory_space<vmem>>, vector<16xf32>,
      %sub3A_516 = arith.subf %get3A_515, %gather3A_513 : vector<16xf32>
      %mul3A_517 = arith.mulf %sub3A_516, %sub3A_516 : vector<16xf32>
      %add3A_518 = arith.addf %add3A_504, %mul3A_517 : vector<16xf32>
      scf.yield %add3A_518 : vector<16xf32>
    }
    %scan3A_164 = arith.constant 256 : i32
    %dma_wait3A_165 = arith.constant 8192 : i32
    %dma_wait3A_166 = tpu.memref_slice %arg3[%add3A_152, %dma_wait3A_165] : memref<64x16384xf32, #tpu.memory_space<hbm>> -> memref<1x4096xf32, #tpu.memory_space<hbm>>
    %dma_wait3A_167 = tpu.memref_squeeze %dma_wait3A_166 : memref<1x4096xf32, #tpu.memory_space<hbm>> -> memref<4096xf32, #tpu.memory_space<hbm>>
    %dma_wait3A_168 = arith.constant 8192 : i32
    %dma_wait3A_169 = tpu.memref_slice %arg3[%add3A_152, %dma_wait3A_168] : memref<64x16384xf32, #tpu.memory_space<hbm>> -> memref<1x4096xf32, #tpu.memory_space<hbm>>
    %dma_wait3A_170 = tpu.memref_squeeze %dma_wait3A_169 : memref<1x4096xf32, #tpu.memory_space<hbm>> -> memref<4096xf32, #tpu.memory_space<hbm>>
    tpu.wait_dma2 semaphore(%arg14 : memref<!tpu.dma_semaphore, #tpu.memory_space<semaphore_mem>>) src(%dma_wait3A_170 : memref<4096xf32, #tpu.memory_space<hbm>>) dst(%arg9 : memref<4096xf32, #tpu.memory_space<vmem>>)
    %mul3A_171 = arith.constant 2 : i32
    %mul3A_172 = arith.muli %add3A, %mul3A_171 : i32
    %add3A_173 = arith.constant 0 : i32
    %add3A_174 = arith.addi %mul3A_172, %add3A_173 : i32
    %dma_start3A_175 = arith.constant 12288 : i32
    %dma_start3A_176 = tpu.memref_slice %arg3[%add3A_174, %dma_start3A_175] : memref<64x16384xf32, #tpu.memory_space<hbm>> -> memref<1x4096xf32, #tpu.memory_space<hbm>>
    %dma_start3A_177 = tpu.memref_squeeze %dma_start3A_176 : memref<1x4096xf32, #tpu.memory_space<hbm>> -> memref<4096xf32, #tpu.memory_space<hbm>>
    %dma_start3A_178 = arith.constant 12288 : i32
    %dma_start3A_179 = tpu.memref_slice %arg3[%add3A_174, %dma_start3A_178] : memref<64x16384xf32, #tpu.memory_space<hbm>> -> memref<1x4096xf32, #tpu.memory_space<hbm>>
    %dma_start3A_180 = tpu.memref_squeeze %dma_start3A_179 : memref<1x4096xf32, #tpu.memory_space<hbm>> -> memref<4096xf32, #tpu.memory_space<hbm>>
    tpu.enqueue_dma source(%dma_start3A_180 : memref<4096xf32, #tpu.memory_space<hbm>>) target(%arg10 : memref<4096xf32, #tpu.memory_space<vmem>>) target_semaphore(%arg15 : memref<!tpu.dma_semaphore, #tpu.memory_space<semaphore_mem>>)
    %scan3A_181 = arith.constant 0 : i32
    %scan3A_182 = arith.constant 256 : i32
    %scan3A_183 = arith.addi %scan3A_181, %scan3A_182 : i32
    %scan3A_184 = arith.constant 8 : i32
    %scan3A_185 = scf.for %scan3A_410 = %scan3A_181 to %scan3A_183 step %scan3A_184 iter_args(%scan3A_411 = %scan3A_163) -> (vector<16xf32>)  : i32 {
      %mul3A_412 = arith.constant 16 : i32
      %mul3A_413 = arith.muli %scan3A_410, %mul3A_412 : i32
      %add3A_414 = arith.constant 8192 : i32
      %add3A_415 = arith.addi %add3A_414, %mul3A_413 : i32
      %get3A = arith.index_cast %add3A_415 : i32 to index
      %get3A_416 = tpu.vector_load %arg7[%get3A] {strides = array<i32>} : memref<16384xi32, #tpu.memory_space<vmem>>, vector<16xi32>,
      %gather3A = tpu.vector_load_idx %arg11[%get3A_416] : memref<100096xf32, #tpu.memory_space<vmem>>[vector<16xi32>], vector<16xf32>,
      %get3A_417 = arith.index_cast %mul3A_413 : i32 to index
      %get3A_418 = tpu.vector_load %arg9[%get3A_417] {strides = array<i32>} : memref<4096xf32, #tpu.memory_space<vmem>>, vector<16xf32>,
      %sub3A = arith.subf %get3A_418, %gather3A : vector<16xf32>
      %mul3A_419 = arith.mulf %sub3A, %sub3A : vector<16xf32>
      %add3A_420 = arith.addf %scan3A_411, %mul3A_419 : vector<16xf32>
      %scan3A_421 = arith.constant 1 : i32
      %scan3A_422 = arith.addi %scan3A_410, %scan3A_421 : i32
      %mul3A_423 = arith.constant 16 : i32
      %mul3A_424 = arith.muli %scan3A_422, %mul3A_423 : i32
      %add3A_425 = arith.constant 8192 : i32
      %add3A_426 = arith.addi %add3A_425, %mul3A_424 : i32
      %get3A_427 = arith.index_cast %add3A_426 : i32 to index
      %get3A_428 = tpu.vector_load %arg7[%get3A_427] {strides = array<i32>} : memref<16384xi32, #tpu.memory_space<vmem>>, vector<16xi32>,
      %gather3A_429 = tpu.vector_load_idx %arg11[%get3A_428] : memref<100096xf32, #tpu.memory_space<vmem>>[vector<16xi32>], vector<16xf32>,
      %get3A_430 = arith.index_cast %mul3A_424 : i32 to index
      %get3A_431 = tpu.vector_load %arg9[%get3A_430] {strides = array<i32>} : memref<4096xf32, #tpu.memory_space<vmem>>, vector<16xf32>,
      %sub3A_432 = arith.subf %get3A_431, %gather3A_429 : vector<16xf32>
      %mul3A_433 = arith.mulf %sub3A_432, %sub3A_432 : vector<16xf32>
      %add3A_434 = arith.addf %add3A_420, %mul3A_433 : vector<16xf32>
      %scan3A_435 = arith.constant 2 : i32
      %scan3A_436 = arith.addi %scan3A_410, %scan3A_435 : i32
      %mul3A_437 = arith.constant 16 : i32
      %mul3A_438 = arith.muli %scan3A_436, %mul3A_437 : i32
      %add3A_439 = arith.constant 8192 : i32
      %add3A_440 = arith.addi %add3A_439, %mul3A_438 : i32
      %get3A_441 = arith.index_cast %add3A_440 : i32 to index
      %get3A_442 = tpu.vector_load %arg7[%get3A_441] {strides = array<i32>} : memref<16384xi32, #tpu.memory_space<vmem>>, vector<16xi32>,
      %gather3A_443 = tpu.vector_load_idx %arg11[%get3A_442] : memref<100096xf32, #tpu.memory_space<vmem>>[vector<16xi32>], vector<16xf32>,
      %get3A_444 = arith.index_cast %mul3A_438 : i32 to index
      %get3A_445 = tpu.vector_load %arg9[%get3A_444] {strides = array<i32>} : memref<4096xf32, #tpu.memory_space<vmem>>, vector<16xf32>,
      %sub3A_446 = arith.subf %get3A_445, %gather3A_443 : vector<16xf32>
      %mul3A_447 = arith.mulf %sub3A_446, %sub3A_446 : vector<16xf32>
      %add3A_448 = arith.addf %add3A_434, %mul3A_447 : vector<16xf32>
      %scan3A_449 = arith.constant 3 : i32
      %scan3A_450 = arith.addi %scan3A_410, %scan3A_449 : i32
      %mul3A_451 = arith.constant 16 : i32
      %mul3A_452 = arith.muli %scan3A_450, %mul3A_451 : i32
      %add3A_453 = arith.constant 8192 : i32
      %add3A_454 = arith.addi %add3A_453, %mul3A_452 : i32
      %get3A_455 = arith.index_cast %add3A_454 : i32 to index
      %get3A_456 = tpu.vector_load %arg7[%get3A_455] {strides = array<i32>} : memref<16384xi32, #tpu.memory_space<vmem>>, vector<16xi32>,
      %gather3A_457 = tpu.vector_load_idx %arg11[%get3A_456] : memref<100096xf32, #tpu.memory_space<vmem>>[vector<16xi32>], vector<16xf32>,
      %get3A_458 = arith.index_cast %mul3A_452 : i32 to index
      %get3A_459 = tpu.vector_load %arg9[%get3A_458] {strides = array<i32>} : memref<4096xf32, #tpu.memory_space<vmem>>, vector<16xf32>,
      %sub3A_460 = arith.subf %get3A_459, %gather3A_457 : vector<16xf32>
      %mul3A_461 = arith.mulf %sub3A_460, %sub3A_460 : vector<16xf32>
      %add3A_462 = arith.addf %add3A_448, %mul3A_461 : vector<16xf32>
      %scan3A_463 = arith.constant 4 : i32
      %scan3A_464 = arith.addi %scan3A_410, %scan3A_463 : i32
      %mul3A_465 = arith.constant 16 : i32
      %mul3A_466 = arith.muli %scan3A_464, %mul3A_465 : i32
      %add3A_467 = arith.constant 8192 : i32
      %add3A_468 = arith.addi %add3A_467, %mul3A_466 : i32
      %get3A_469 = arith.index_cast %add3A_468 : i32 to index
      %get3A_470 = tpu.vector_load %arg7[%get3A_469] {strides = array<i32>} : memref<16384xi32, #tpu.memory_space<vmem>>, vector<16xi32>,
      %gather3A_471 = tpu.vector_load_idx %arg11[%get3A_470] : memref<100096xf32, #tpu.memory_space<vmem>>[vector<16xi32>], vector<16xf32>,
      %get3A_472 = arith.index_cast %mul3A_466 : i32 to index
      %get3A_473 = tpu.vector_load %arg9[%get3A_472] {strides = array<i32>} : memref<4096xf32, #tpu.memory_space<vmem>>, vector<16xf32>,
      %sub3A_474 = arith.subf %get3A_473, %gather3A_471 : vector<16xf32>
      %mul3A_475 = arith.mulf %sub3A_474, %sub3A_474 : vector<16xf32>
      %add3A_476 = arith.addf %add3A_462, %mul3A_475 : vector<16xf32>
      %scan3A_477 = arith.constant 5 : i32
      %scan3A_478 = arith.addi %scan3A_410, %scan3A_477 : i32
      %mul3A_479 = arith.constant 16 : i32
      %mul3A_480 = arith.muli %scan3A_478, %mul3A_479 : i32
      %add3A_481 = arith.constant 8192 : i32
      %add3A_482 = arith.addi %add3A_481, %mul3A_480 : i32
      %get3A_483 = arith.index_cast %add3A_482 : i32 to index
      %get3A_484 = tpu.vector_load %arg7[%get3A_483] {strides = array<i32>} : memref<16384xi32, #tpu.memory_space<vmem>>, vector<16xi32>,
      %gather3A_485 = tpu.vector_load_idx %arg11[%get3A_484] : memref<100096xf32, #tpu.memory_space<vmem>>[vector<16xi32>], vector<16xf32>,
      %get3A_486 = arith.index_cast %mul3A_480 : i32 to index
      %get3A_487 = tpu.vector_load %arg9[%get3A_486] {strides = array<i32>} : memref<4096xf32, #tpu.memory_space<vmem>>, vector<16xf32>,
      %sub3A_488 = arith.subf %get3A_487, %gather3A_485 : vector<16xf32>
      %mul3A_489 = arith.mulf %sub3A_488, %sub3A_488 : vector<16xf32>
      %add3A_490 = arith.addf %add3A_476, %mul3A_489 : vector<16xf32>
      %scan3A_491 = arith.constant 6 : i32
      %scan3A_492 = arith.addi %scan3A_410, %scan3A_491 : i32
      %mul3A_493 = arith.constant 16 : i32
      %mul3A_494 = arith.muli %scan3A_492, %mul3A_493 : i32
      %add3A_495 = arith.constant 8192 : i32
      %add3A_496 = arith.addi %add3A_495, %mul3A_494 : i32
      %get3A_497 = arith.index_cast %add3A_496 : i32 to index
      %get3A_498 = tpu.vector_load %arg7[%get3A_497] {strides = array<i32>} : memref<16384xi32, #tpu.memory_space<vmem>>, vector<16xi32>,
      %gather3A_499 = tpu.vector_load_idx %arg11[%get3A_498] : memref<100096xf32, #tpu.memory_space<vmem>>[vector<16xi32>], vector<16xf32>,
      %get3A_500 = arith.index_cast %mul3A_494 : i32 to index
      %get3A_501 = tpu.vector_load %arg9[%get3A_500] {strides = array<i32>} : memref<4096xf32, #tpu.memory_space<vmem>>, vector<16xf32>,
      %sub3A_502 = arith.subf %get3A_501, %gather3A_499 : vector<16xf32>
      %mul3A_503 = arith.mulf %sub3A_502, %sub3A_502 : vector<16xf32>
      %add3A_504 = arith.addf %add3A_490, %mul3A_503 : vector<16xf32>
      %scan3A_505 = arith.constant 7 : i32
      %scan3A_506 = arith.addi %scan3A_410, %scan3A_505 : i32
      %mul3A_507 = arith.constant 16 : i32
      %mul3A_508 = arith.muli %scan3A_506, %mul3A_507 : i32
      %add3A_509 = arith.constant 8192 : i32
      %add3A_510 = arith.addi %add3A_509, %mul3A_508 : i32
      %get3A_511 = arith.index_cast %add3A_510 : i32 to index
      %get3A_512 = tpu.vector_load %arg7[%get3A_511] {strides = array<i32>} : memref<16384xi32, #tpu.memory_space<vmem>>, vector<16xi32>,
      %gather3A_513 = tpu.vector_load_idx %arg11[%get3A_512] : memref<100096xf32, #tpu.memory_space<vmem>>[vector<16xi32>], vector<16xf32>,
      %get3A_514 = arith.index_cast %mul3A_508 : i32 to index
      %get3A_515 = tpu.vector_load %arg9[%get3A_514] {strides = array<i32>} : memref<4096xf32, #tpu.memory_space<vmem>>, vector<16xf32>,
      %sub3A_516 = arith.subf %get3A_515, %gather3A_513 : vector<16xf32>
      %mul3A_517 = arith.mulf %sub3A_516, %sub3A_516 : vector<16xf32>
      %add3A_518 = arith.addf %add3A_504, %mul3A_517 : vector<16xf32>
      scf.yield %add3A_518 : vector<16xf32>
    }
    %scan3A_186 = arith.constant 256 : i32
    %dma_wait3A_187 = arith.constant 12288 : i32
    %dma_wait3A_188 = tpu.memref_slice %arg3[%add3A_174, %dma_wait3A_187] : memref<64x16384xf32, #tpu.memory_space<hbm>> -> memref<1x4096xf32, #tpu.memory_space<hbm>>
    %dma_wait3A_189 = tpu.memref_squeeze %dma_wait3A_188 : memref<1x4096xf32, #tpu.memory_space<hbm>> -> memref<4096xf32, #tpu.memory_space<hbm>>
    %dma_wait3A_190 = arith.constant 12288 : i32
    %dma_wait3A_191 = tpu.memref_slice %arg3[%add3A_174, %dma_wait3A_190] : memref<64x16384xf32, #tpu.memory_space<hbm>> -> memref<1x4096xf32, #tpu.memory_space<hbm>>
    %dma_wait3A_192 = tpu.memref_squeeze %dma_wait3A_191 : memref<1x4096xf32, #tpu.memory_space<hbm>> -> memref<4096xf32, #tpu.memory_space<hbm>>
    tpu.wait_dma2 semaphore(%arg15 : memref<!tpu.dma_semaphore, #tpu.memory_space<semaphore_mem>>) src(%dma_wait3A_192 : memref<4096xf32, #tpu.memory_space<hbm>>) dst(%arg10 : memref<4096xf32, #tpu.memory_space<vmem>>)
    %mul3A_193 = arith.constant 2 : i32
    %mul3A_194 = arith.muli %add3A, %mul3A_193 : i32
    %add3A_195 = arith.constant 1 : i32
    %add3A_196 = arith.addi %mul3A_194, %add3A_195 : i32
    %dma_start3A_197 = arith.constant 0 : i32
    %dma_start3A_198 = tpu.memref_slice %arg3[%add3A_196, %dma_start3A_197] : memref<64x16384xf32, #tpu.memory_space<hbm>> -> memref<1x4096xf32, #tpu.memory_space<hbm>>
    %dma_start3A_199 = tpu.memref_squeeze %dma_start3A_198 : memref<1x4096xf32, #tpu.memory_space<hbm>> -> memref<4096xf32, #tpu.memory_space<hbm>>
    %dma_start3A_200 = arith.constant 0 : i32
    %dma_start3A_201 = tpu.memref_slice %arg3[%add3A_196, %dma_start3A_200] : memref<64x16384xf32, #tpu.memory_space<hbm>> -> memref<1x4096xf32, #tpu.memory_space<hbm>>
    %dma_start3A_202 = tpu.memref_squeeze %dma_start3A_201 : memref<1x4096xf32, #tpu.memory_space<hbm>> -> memref<4096xf32, #tpu.memory_space<hbm>>
    tpu.enqueue_dma source(%dma_start3A_202 : memref<4096xf32, #tpu.memory_space<hbm>>) target(%arg9 : memref<4096xf32, #tpu.memory_space<vmem>>) target_semaphore(%arg14 : memref<!tpu.dma_semaphore, #tpu.memory_space<semaphore_mem>>)
    %scan3A_203 = arith.constant 0 : i32
    %scan3A_204 = arith.constant 256 : i32
    %scan3A_205 = arith.addi %scan3A_203, %scan3A_204 : i32
    %scan3A_206 = arith.constant 8 : i32
    %scan3A_207 = scf.for %scan3A_410 = %scan3A_203 to %scan3A_205 step %scan3A_206 iter_args(%scan3A_411 = %scan3A_185) -> (vector<16xf32>)  : i32 {
      %mul3A_412 = arith.constant 16 : i32
      %mul3A_413 = arith.muli %scan3A_410, %mul3A_412 : i32
      %add3A_414 = arith.constant 12288 : i32
      %add3A_415 = arith.addi %add3A_414, %mul3A_413 : i32
      %get3A = arith.index_cast %add3A_415 : i32 to index
      %get3A_416 = tpu.vector_load %arg7[%get3A] {strides = array<i32>} : memref<16384xi32, #tpu.memory_space<vmem>>, vector<16xi32>,
      %gather3A = tpu.vector_load_idx %arg11[%get3A_416] : memref<100096xf32, #tpu.memory_space<vmem>>[vector<16xi32>], vector<16xf32>,
      %get3A_417 = arith.index_cast %mul3A_413 : i32 to index
      %get3A_418 = tpu.vector_load %arg10[%get3A_417] {strides = array<i32>} : memref<4096xf32, #tpu.memory_space<vmem>>, vector<16xf32>,
      %sub3A = arith.subf %get3A_418, %gather3A : vector<16xf32>
      %mul3A_419 = arith.mulf %sub3A, %sub3A : vector<16xf32>
      %add3A_420 = arith.addf %scan3A_411, %mul3A_419 : vector<16xf32>
      %scan3A_421 = arith.constant 1 : i32
      %scan3A_422 = arith.addi %scan3A_410, %scan3A_421 : i32
      %mul3A_423 = arith.constant 16 : i32
      %mul3A_424 = arith.muli %scan3A_422, %mul3A_423 : i32
      %add3A_425 = arith.constant 12288 : i32
      %add3A_426 = arith.addi %add3A_425, %mul3A_424 : i32
      %get3A_427 = arith.index_cast %add3A_426 : i32 to index
      %get3A_428 = tpu.vector_load %arg7[%get3A_427] {strides = array<i32>} : memref<16384xi32, #tpu.memory_space<vmem>>, vector<16xi32>,
      %gather3A_429 = tpu.vector_load_idx %arg11[%get3A_428] : memref<100096xf32, #tpu.memory_space<vmem>>[vector<16xi32>], vector<16xf32>,
      %get3A_430 = arith.index_cast %mul3A_424 : i32 to index
      %get3A_431 = tpu.vector_load %arg10[%get3A_430] {strides = array<i32>} : memref<4096xf32, #tpu.memory_space<vmem>>, vector<16xf32>,
      %sub3A_432 = arith.subf %get3A_431, %gather3A_429 : vector<16xf32>
      %mul3A_433 = arith.mulf %sub3A_432, %sub3A_432 : vector<16xf32>
      %add3A_434 = arith.addf %add3A_420, %mul3A_433 : vector<16xf32>
      %scan3A_435 = arith.constant 2 : i32
      %scan3A_436 = arith.addi %scan3A_410, %scan3A_435 : i32
      %mul3A_437 = arith.constant 16 : i32
      %mul3A_438 = arith.muli %scan3A_436, %mul3A_437 : i32
      %add3A_439 = arith.constant 12288 : i32
      %add3A_440 = arith.addi %add3A_439, %mul3A_438 : i32
      %get3A_441 = arith.index_cast %add3A_440 : i32 to index
      %get3A_442 = tpu.vector_load %arg7[%get3A_441] {strides = array<i32>} : memref<16384xi32, #tpu.memory_space<vmem>>, vector<16xi32>,
      %gather3A_443 = tpu.vector_load_idx %arg11[%get3A_442] : memref<100096xf32, #tpu.memory_space<vmem>>[vector<16xi32>], vector<16xf32>,
      %get3A_444 = arith.index_cast %mul3A_438 : i32 to index
      %get3A_445 = tpu.vector_load %arg10[%get3A_444] {strides = array<i32>} : memref<4096xf32, #tpu.memory_space<vmem>>, vector<16xf32>,
      %sub3A_446 = arith.subf %get3A_445, %gather3A_443 : vector<16xf32>
      %mul3A_447 = arith.mulf %sub3A_446, %sub3A_446 : vector<16xf32>
      %add3A_448 = arith.addf %add3A_434, %mul3A_447 : vector<16xf32>
      %scan3A_449 = arith.constant 3 : i32
      %scan3A_450 = arith.addi %scan3A_410, %scan3A_449 : i32
      %mul3A_451 = arith.constant 16 : i32
      %mul3A_452 = arith.muli %scan3A_450, %mul3A_451 : i32
      %add3A_453 = arith.constant 12288 : i32
      %add3A_454 = arith.addi %add3A_453, %mul3A_452 : i32
      %get3A_455 = arith.index_cast %add3A_454 : i32 to index
      %get3A_456 = tpu.vector_load %arg7[%get3A_455] {strides = array<i32>} : memref<16384xi32, #tpu.memory_space<vmem>>, vector<16xi32>,
      %gather3A_457 = tpu.vector_load_idx %arg11[%get3A_456] : memref<100096xf32, #tpu.memory_space<vmem>>[vector<16xi32>], vector<16xf32>,
      %get3A_458 = arith.index_cast %mul3A_452 : i32 to index
      %get3A_459 = tpu.vector_load %arg10[%get3A_458] {strides = array<i32>} : memref<4096xf32, #tpu.memory_space<vmem>>, vector<16xf32>,
      %sub3A_460 = arith.subf %get3A_459, %gather3A_457 : vector<16xf32>
      %mul3A_461 = arith.mulf %sub3A_460, %sub3A_460 : vector<16xf32>
      %add3A_462 = arith.addf %add3A_448, %mul3A_461 : vector<16xf32>
      %scan3A_463 = arith.constant 4 : i32
      %scan3A_464 = arith.addi %scan3A_410, %scan3A_463 : i32
      %mul3A_465 = arith.constant 16 : i32
      %mul3A_466 = arith.muli %scan3A_464, %mul3A_465 : i32
      %add3A_467 = arith.constant 12288 : i32
      %add3A_468 = arith.addi %add3A_467, %mul3A_466 : i32
      %get3A_469 = arith.index_cast %add3A_468 : i32 to index
      %get3A_470 = tpu.vector_load %arg7[%get3A_469] {strides = array<i32>} : memref<16384xi32, #tpu.memory_space<vmem>>, vector<16xi32>,
      %gather3A_471 = tpu.vector_load_idx %arg11[%get3A_470] : memref<100096xf32, #tpu.memory_space<vmem>>[vector<16xi32>], vector<16xf32>,
      %get3A_472 = arith.index_cast %mul3A_466 : i32 to index
      %get3A_473 = tpu.vector_load %arg10[%get3A_472] {strides = array<i32>} : memref<4096xf32, #tpu.memory_space<vmem>>, vector<16xf32>,
      %sub3A_474 = arith.subf %get3A_473, %gather3A_471 : vector<16xf32>
      %mul3A_475 = arith.mulf %sub3A_474, %sub3A_474 : vector<16xf32>
      %add3A_476 = arith.addf %add3A_462, %mul3A_475 : vector<16xf32>
      %scan3A_477 = arith.constant 5 : i32
      %scan3A_478 = arith.addi %scan3A_410, %scan3A_477 : i32
      %mul3A_479 = arith.constant 16 : i32
      %mul3A_480 = arith.muli %scan3A_478, %mul3A_479 : i32
      %add3A_481 = arith.constant 12288 : i32
      %add3A_482 = arith.addi %add3A_481, %mul3A_480 : i32
      %get3A_483 = arith.index_cast %add3A_482 : i32 to index
      %get3A_484 = tpu.vector_load %arg7[%get3A_483] {strides = array<i32>} : memref<16384xi32, #tpu.memory_space<vmem>>, vector<16xi32>,
      %gather3A_485 = tpu.vector_load_idx %arg11[%get3A_484] : memref<100096xf32, #tpu.memory_space<vmem>>[vector<16xi32>], vector<16xf32>,
      %get3A_486 = arith.index_cast %mul3A_480 : i32 to index
      %get3A_487 = tpu.vector_load %arg10[%get3A_486] {strides = array<i32>} : memref<4096xf32, #tpu.memory_space<vmem>>, vector<16xf32>,
      %sub3A_488 = arith.subf %get3A_487, %gather3A_485 : vector<16xf32>
      %mul3A_489 = arith.mulf %sub3A_488, %sub3A_488 : vector<16xf32>
      %add3A_490 = arith.addf %add3A_476, %mul3A_489 : vector<16xf32>
      %scan3A_491 = arith.constant 6 : i32
      %scan3A_492 = arith.addi %scan3A_410, %scan3A_491 : i32
      %mul3A_493 = arith.constant 16 : i32
      %mul3A_494 = arith.muli %scan3A_492, %mul3A_493 : i32
      %add3A_495 = arith.constant 12288 : i32
      %add3A_496 = arith.addi %add3A_495, %mul3A_494 : i32
      %get3A_497 = arith.index_cast %add3A_496 : i32 to index
      %get3A_498 = tpu.vector_load %arg7[%get3A_497] {strides = array<i32>} : memref<16384xi32, #tpu.memory_space<vmem>>, vector<16xi32>,
      %gather3A_499 = tpu.vector_load_idx %arg11[%get3A_498] : memref<100096xf32, #tpu.memory_space<vmem>>[vector<16xi32>], vector<16xf32>,
      %get3A_500 = arith.index_cast %mul3A_494 : i32 to index
      %get3A_501 = tpu.vector_load %arg10[%get3A_500] {strides = array<i32>} : memref<4096xf32, #tpu.memory_space<vmem>>, vector<16xf32>,
      %sub3A_502 = arith.subf %get3A_501, %gather3A_499 : vector<16xf32>
      %mul3A_503 = arith.mulf %sub3A_502, %sub3A_502 : vector<16xf32>
      %add3A_504 = arith.addf %add3A_490, %mul3A_503 : vector<16xf32>
      %scan3A_505 = arith.constant 7 : i32
      %scan3A_506 = arith.addi %scan3A_410, %scan3A_505 : i32
      %mul3A_507 = arith.constant 16 : i32
      %mul3A_508 = arith.muli %scan3A_506, %mul3A_507 : i32
      %add3A_509 = arith.constant 12288 : i32
      %add3A_510 = arith.addi %add3A_509, %mul3A_508 : i32
      %get3A_511 = arith.index_cast %add3A_510 : i32 to index
      %get3A_512 = tpu.vector_load %arg7[%get3A_511] {strides = array<i32>} : memref<16384xi32, #tpu.memory_space<vmem>>, vector<16xi32>,
      %gather3A_513 = tpu.vector_load_idx %arg11[%get3A_512] : memref<100096xf32, #tpu.memory_space<vmem>>[vector<16xi32>], vector<16xf32>,
      %get3A_514 = arith.index_cast %mul3A_508 : i32 to index
      %get3A_515 = tpu.vector_load %arg10[%get3A_514] {strides = array<i32>} : memref<4096xf32, #tpu.memory_space<vmem>>, vector<16xf32>,
      %sub3A_516 = arith.subf %get3A_515, %gather3A_513 : vector<16xf32>
      %mul3A_517 = arith.mulf %sub3A_516, %sub3A_516 : vector<16xf32>
      %add3A_518 = arith.addf %add3A_504, %mul3A_517 : vector<16xf32>
      scf.yield %add3A_518 : vector<16xf32>
    }
    %scan3A_208 = arith.constant 256 : i32
    %mul3A_209 = arith.constant 2 : i32
    %mul3A_210 = arith.muli %add3A, %mul3A_209 : i32
    %add3A_211 = arith.constant 1 : i32
    %add3A_212 = arith.addi %mul3A_210, %add3A_211 : i32
    %dma_start3A_213 = arith.constant 0 : i32
    %dma_start3A_214 = tpu.memref_slice %arg11[%dma_start3A_213] : memref<100096xf32, #tpu.memory_space<vmem>> -> memref<25088xf32, #tpu.memory_space<vmem>>
    %dma_start3A_215 = arith.constant 0 : i32
    %dma_start3A_216 = tpu.memref_slice %arg4[%add3A_212, %dma_start3A_215] : memref<64x100000xf32, #tpu.memory_space<hbm>> -> memref<1x25088xf32, #tpu.memory_space<hbm>>
    %dma_start3A_217 = tpu.memref_squeeze %dma_start3A_216 : memref<1x25088xf32, #tpu.memory_space<hbm>> -> memref<25088xf32, #tpu.memory_space<hbm>>
    %dma_start3A_218 = arith.constant 0 : i32
    %dma_start3A_219 = tpu.memref_slice %arg11[%dma_start3A_218] : memref<100096xf32, #tpu.memory_space<vmem>> -> memref<25088xf32, #tpu.memory_space<vmem>>
    %dma_start3A_220 = arith.constant 0 : i32
    %dma_start3A_221 = tpu.memref_slice %arg4[%add3A_212, %dma_start3A_220] : memref<64x100000xf32, #tpu.memory_space<hbm>> -> memref<1x25088xf32, #tpu.memory_space<hbm>>
    %dma_start3A_222 = tpu.memref_squeeze %dma_start3A_221 : memref<1x25088xf32, #tpu.memory_space<hbm>> -> memref<25088xf32, #tpu.memory_space<hbm>>
    tpu.enqueue_dma source(%dma_start3A_222 : memref<25088xf32, #tpu.memory_space<hbm>>) target(%dma_start3A_219 : memref<25088xf32, #tpu.memory_space<vmem>>) target_semaphore(%arg16 : memref<!tpu.dma_semaphore, #tpu.memory_space<semaphore_mem>>)
    %dma_start3A_223 = arith.constant 25088 : i32
    %dma_start3A_224 = tpu.memref_slice %arg11[%dma_start3A_223] : memref<100096xf32, #tpu.memory_space<vmem>> -> memref<25088xf32, #tpu.memory_space<vmem>>
    %dma_start3A_225 = arith.constant 25088 : i32
    %dma_start3A_226 = tpu.memref_slice %arg4[%add3A_212, %dma_start3A_225] : memref<64x100000xf32, #tpu.memory_space<hbm>> -> memref<1x25088xf32, #tpu.memory_space<hbm>>
    %dma_start3A_227 = tpu.memref_squeeze %dma_start3A_226 : memref<1x25088xf32, #tpu.memory_space<hbm>> -> memref<25088xf32, #tpu.memory_space<hbm>>
    %dma_start3A_228 = arith.constant 25088 : i32
    %dma_start3A_229 = tpu.memref_slice %arg11[%dma_start3A_228] : memref<100096xf32, #tpu.memory_space<vmem>> -> memref<25088xf32, #tpu.memory_space<vmem>>
    %dma_start3A_230 = arith.constant 25088 : i32
    %dma_start3A_231 = tpu.memref_slice %arg4[%add3A_212, %dma_start3A_230] : memref<64x100000xf32, #tpu.memory_space<hbm>> -> memref<1x25088xf32, #tpu.memory_space<hbm>>
    %dma_start3A_232 = tpu.memref_squeeze %dma_start3A_231 : memref<1x25088xf32, #tpu.memory_space<hbm>> -> memref<25088xf32, #tpu.memory_space<hbm>>
    tpu.enqueue_dma source(%dma_start3A_232 : memref<25088xf32, #tpu.memory_space<hbm>>) target(%dma_start3A_229 : memref<25088xf32, #tpu.memory_space<vmem>>) target_semaphore(%arg16 : memref<!tpu.dma_semaphore, #tpu.memory_space<semaphore_mem>>)
    %dma_start3A_233 = arith.constant 50176 : i32
    %dma_start3A_234 = tpu.memref_slice %arg11[%dma_start3A_233] : memref<100096xf32, #tpu.memory_space<vmem>> -> memref<25088xf32, #tpu.memory_space<vmem>>
    %dma_start3A_235 = arith.constant 50176 : i32
    %dma_start3A_236 = tpu.memref_slice %arg4[%add3A_212, %dma_start3A_235] : memref<64x100000xf32, #tpu.memory_space<hbm>> -> memref<1x25088xf32, #tpu.memory_space<hbm>>
    %dma_start3A_237 = tpu.memref_squeeze %dma_start3A_236 : memref<1x25088xf32, #tpu.memory_space<hbm>> -> memref<25088xf32, #tpu.memory_space<hbm>>
    %dma_start3A_238 = arith.constant 50176 : i32
    %dma_start3A_239 = tpu.memref_slice %arg11[%dma_start3A_238] : memref<100096xf32, #tpu.memory_space<vmem>> -> memref<25088xf32, #tpu.memory_space<vmem>>
    %dma_start3A_240 = arith.constant 50176 : i32
    %dma_start3A_241 = tpu.memref_slice %arg4[%add3A_212, %dma_start3A_240] : memref<64x100000xf32, #tpu.memory_space<hbm>> -> memref<1x25088xf32, #tpu.memory_space<hbm>>
    %dma_start3A_242 = tpu.memref_squeeze %dma_start3A_241 : memref<1x25088xf32, #tpu.memory_space<hbm>> -> memref<25088xf32, #tpu.memory_space<hbm>>
    tpu.enqueue_dma source(%dma_start3A_242 : memref<25088xf32, #tpu.memory_space<hbm>>) target(%dma_start3A_239 : memref<25088xf32, #tpu.memory_space<vmem>>) target_semaphore(%arg16 : memref<!tpu.dma_semaphore, #tpu.memory_space<semaphore_mem>>)
    %dma_start3A_243 = arith.constant 75264 : i32
    %dma_start3A_244 = tpu.memref_slice %arg11[%dma_start3A_243] : memref<100096xf32, #tpu.memory_space<vmem>> -> memref<24704xf32, #tpu.memory_space<vmem>>
    %dma_start3A_245 = arith.constant 75264 : i32
    %dma_start3A_246 = tpu.memref_slice %arg4[%add3A_212, %dma_start3A_245] : memref<64x100000xf32, #tpu.memory_space<hbm>> -> memref<1x24704xf32, #tpu.memory_space<hbm>>
    %dma_start3A_247 = tpu.memref_squeeze %dma_start3A_246 : memref<1x24704xf32, #tpu.memory_space<hbm>> -> memref<24704xf32, #tpu.memory_space<hbm>>
    %dma_start3A_248 = arith.constant 75264 : i32
    %dma_start3A_249 = tpu.memref_slice %arg11[%dma_start3A_248] : memref<100096xf32, #tpu.memory_space<vmem>> -> memref<24704xf32, #tpu.memory_space<vmem>>
    %dma_start3A_250 = arith.constant 75264 : i32
    %dma_start3A_251 = tpu.memref_slice %arg4[%add3A_212, %dma_start3A_250] : memref<64x100000xf32, #tpu.memory_space<hbm>> -> memref<1x24704xf32, #tpu.memory_space<hbm>>
    %dma_start3A_252 = tpu.memref_squeeze %dma_start3A_251 : memref<1x24704xf32, #tpu.memory_space<hbm>> -> memref<24704xf32, #tpu.memory_space<hbm>>
    tpu.enqueue_dma source(%dma_start3A_252 : memref<24704xf32, #tpu.memory_space<hbm>>) target(%dma_start3A_249 : memref<24704xf32, #tpu.memory_space<vmem>>) target_semaphore(%arg16 : memref<!tpu.dma_semaphore, #tpu.memory_space<semaphore_mem>>)
    %dma_start3A_253 = arith.constant 99968 : i32
    %dma_start3A_254 = tpu.memref_slice %arg11[%dma_start3A_253] : memref<100096xf32, #tpu.memory_space<vmem>> -> memref<128xf32, #tpu.memory_space<vmem>>
    %dma_start3A_255 = arith.constant 0 : i32
    %dma_start3A_256 = tpu.memref_slice %arg5[%add3A_212, %dma_start3A_255] : memref<64x128xf32, #tpu.memory_space<hbm>> -> memref<1x128xf32, #tpu.memory_space<hbm>>
    %dma_start3A_257 = tpu.memref_squeeze %dma_start3A_256 : memref<1x128xf32, #tpu.memory_space<hbm>> -> memref<128xf32, #tpu.memory_space<hbm>>
    %dma_start3A_258 = arith.constant 99968 : i32
    %dma_start3A_259 = tpu.memref_slice %arg11[%dma_start3A_258] : memref<100096xf32, #tpu.memory_space<vmem>> -> memref<128xf32, #tpu.memory_space<vmem>>
    %dma_start3A_260 = arith.constant 0 : i32
    %dma_start3A_261 = tpu.memref_slice %arg5[%add3A_212, %dma_start3A_260] : memref<64x128xf32, #tpu.memory_space<hbm>> -> memref<1x128xf32, #tpu.memory_space<hbm>>
    %dma_start3A_262 = tpu.memref_squeeze %dma_start3A_261 : memref<1x128xf32, #tpu.memory_space<hbm>> -> memref<128xf32, #tpu.memory_space<hbm>>
    tpu.enqueue_dma source(%dma_start3A_262 : memref<128xf32, #tpu.memory_space<hbm>>) target(%dma_start3A_259 : memref<128xf32, #tpu.memory_space<vmem>>) target_semaphore(%arg16 : memref<!tpu.dma_semaphore, #tpu.memory_space<semaphore_mem>>)
    %dma_wait3A_263 = arith.constant 0 : i32
    %dma_wait3A_264 = tpu.memref_slice %arg11[%dma_wait3A_263] : memref<100096xf32, #tpu.memory_space<vmem>> -> memref<25088xf32, #tpu.memory_space<vmem>>
    %dma_wait3A_265 = arith.constant 0 : i32
    %dma_wait3A_266 = tpu.memref_slice %arg4[%add3A_212, %dma_wait3A_265] : memref<64x100000xf32, #tpu.memory_space<hbm>> -> memref<1x25088xf32, #tpu.memory_space<hbm>>
    %dma_wait3A_267 = tpu.memref_squeeze %dma_wait3A_266 : memref<1x25088xf32, #tpu.memory_space<hbm>> -> memref<25088xf32, #tpu.memory_space<hbm>>
    %dma_wait3A_268 = arith.constant 0 : i32
    %dma_wait3A_269 = tpu.memref_slice %arg11[%dma_wait3A_268] : memref<100096xf32, #tpu.memory_space<vmem>> -> memref<25088xf32, #tpu.memory_space<vmem>>
    %dma_wait3A_270 = arith.constant 0 : i32
    %dma_wait3A_271 = tpu.memref_slice %arg4[%add3A_212, %dma_wait3A_270] : memref<64x100000xf32, #tpu.memory_space<hbm>> -> memref<1x25088xf32, #tpu.memory_space<hbm>>
    %dma_wait3A_272 = tpu.memref_squeeze %dma_wait3A_271 : memref<1x25088xf32, #tpu.memory_space<hbm>> -> memref<25088xf32, #tpu.memory_space<hbm>>
    tpu.wait_dma2 semaphore(%arg16 : memref<!tpu.dma_semaphore, #tpu.memory_space<semaphore_mem>>) src(%dma_wait3A_272 : memref<25088xf32, #tpu.memory_space<hbm>>) dst(%dma_wait3A_269 : memref<25088xf32, #tpu.memory_space<vmem>>)
    %dma_wait3A_273 = arith.constant 25088 : i32
    %dma_wait3A_274 = tpu.memref_slice %arg11[%dma_wait3A_273] : memref<100096xf32, #tpu.memory_space<vmem>> -> memref<25088xf32, #tpu.memory_space<vmem>>
    %dma_wait3A_275 = arith.constant 25088 : i32
    %dma_wait3A_276 = tpu.memref_slice %arg4[%add3A_212, %dma_wait3A_275] : memref<64x100000xf32, #tpu.memory_space<hbm>> -> memref<1x25088xf32, #tpu.memory_space<hbm>>
    %dma_wait3A_277 = tpu.memref_squeeze %dma_wait3A_276 : memref<1x25088xf32, #tpu.memory_space<hbm>> -> memref<25088xf32, #tpu.memory_space<hbm>>
    %dma_wait3A_278 = arith.constant 25088 : i32
    %dma_wait3A_279 = tpu.memref_slice %arg11[%dma_wait3A_278] : memref<100096xf32, #tpu.memory_space<vmem>> -> memref<25088xf32, #tpu.memory_space<vmem>>
    %dma_wait3A_280 = arith.constant 25088 : i32
    %dma_wait3A_281 = tpu.memref_slice %arg4[%add3A_212, %dma_wait3A_280] : memref<64x100000xf32, #tpu.memory_space<hbm>> -> memref<1x25088xf32, #tpu.memory_space<hbm>>
    %dma_wait3A_282 = tpu.memref_squeeze %dma_wait3A_281 : memref<1x25088xf32, #tpu.memory_space<hbm>> -> memref<25088xf32, #tpu.memory_space<hbm>>
    tpu.wait_dma2 semaphore(%arg16 : memref<!tpu.dma_semaphore, #tpu.memory_space<semaphore_mem>>) src(%dma_wait3A_282 : memref<25088xf32, #tpu.memory_space<hbm>>) dst(%dma_wait3A_279 : memref<25088xf32, #tpu.memory_space<vmem>>)
    %dma_wait3A_283 = arith.constant 50176 : i32
    %dma_wait3A_284 = tpu.memref_slice %arg11[%dma_wait3A_283] : memref<100096xf32, #tpu.memory_space<vmem>> -> memref<25088xf32, #tpu.memory_space<vmem>>
    %dma_wait3A_285 = arith.constant 50176 : i32
    %dma_wait3A_286 = tpu.memref_slice %arg4[%add3A_212, %dma_wait3A_285] : memref<64x100000xf32, #tpu.memory_space<hbm>> -> memref<1x25088xf32, #tpu.memory_space<hbm>>
    %dma_wait3A_287 = tpu.memref_squeeze %dma_wait3A_286 : memref<1x25088xf32, #tpu.memory_space<hbm>> -> memref<25088xf32, #tpu.memory_space<hbm>>
    %dma_wait3A_288 = arith.constant 50176 : i32
    %dma_wait3A_289 = tpu.memref_slice %arg11[%dma_wait3A_288] : memref<100096xf32, #tpu.memory_space<vmem>> -> memref<25088xf32, #tpu.memory_space<vmem>>
    %dma_wait3A_290 = arith.constant 50176 : i32
    %dma_wait3A_291 = tpu.memref_slice %arg4[%add3A_212, %dma_wait3A_290] : memref<64x100000xf32, #tpu.memory_space<hbm>> -> memref<1x25088xf32, #tpu.memory_space<hbm>>
    %dma_wait3A_292 = tpu.memref_squeeze %dma_wait3A_291 : memref<1x25088xf32, #tpu.memory_space<hbm>> -> memref<25088xf32, #tpu.memory_space<hbm>>
    tpu.wait_dma2 semaphore(%arg16 : memref<!tpu.dma_semaphore, #tpu.memory_space<semaphore_mem>>) src(%dma_wait3A_292 : memref<25088xf32, #tpu.memory_space<hbm>>) dst(%dma_wait3A_289 : memref<25088xf32, #tpu.memory_space<vmem>>)
    %dma_wait3A_293 = arith.constant 75264 : i32
    %dma_wait3A_294 = tpu.memref_slice %arg11[%dma_wait3A_293] : memref<100096xf32, #tpu.memory_space<vmem>> -> memref<24704xf32, #tpu.memory_space<vmem>>
    %dma_wait3A_295 = arith.constant 75264 : i32
    %dma_wait3A_296 = tpu.memref_slice %arg4[%add3A_212, %dma_wait3A_295] : memref<64x100000xf32, #tpu.memory_space<hbm>> -> memref<1x24704xf32, #tpu.memory_space<hbm>>
    %dma_wait3A_297 = tpu.memref_squeeze %dma_wait3A_296 : memref<1x24704xf32, #tpu.memory_space<hbm>> -> memref<24704xf32, #tpu.memory_space<hbm>>
    %dma_wait3A_298 = arith.constant 75264 : i32
    %dma_wait3A_299 = tpu.memref_slice %arg11[%dma_wait3A_298] : memref<100096xf32, #tpu.memory_space<vmem>> -> memref<24704xf32, #tpu.memory_space<vmem>>
    %dma_wait3A_300 = arith.constant 75264 : i32
    %dma_wait3A_301 = tpu.memref_slice %arg4[%add3A_212, %dma_wait3A_300] : memref<64x100000xf32, #tpu.memory_space<hbm>> -> memref<1x24704xf32, #tpu.memory_space<hbm>>
    %dma_wait3A_302 = tpu.memref_squeeze %dma_wait3A_301 : memref<1x24704xf32, #tpu.memory_space<hbm>> -> memref<24704xf32, #tpu.memory_space<hbm>>
    tpu.wait_dma2 semaphore(%arg16 : memref<!tpu.dma_semaphore, #tpu.memory_space<semaphore_mem>>) src(%dma_wait3A_302 : memref<24704xf32, #tpu.memory_space<hbm>>) dst(%dma_wait3A_299 : memref<24704xf32, #tpu.memory_space<vmem>>)
    %dma_wait3A_303 = arith.constant 99968 : i32
    %dma_wait3A_304 = tpu.memref_slice %arg11[%dma_wait3A_303] : memref<100096xf32, #tpu.memory_space<vmem>> -> memref<128xf32, #tpu.memory_space<vmem>>
    %dma_wait3A_305 = arith.constant 0 : i32
    %dma_wait3A_306 = tpu.memref_slice %arg5[%add3A_212, %dma_wait3A_305] : memref<64x128xf32, #tpu.memory_space<hbm>> -> memref<1x128xf32, #tpu.memory_space<hbm>>
    %dma_wait3A_307 = tpu.memref_squeeze %dma_wait3A_306 : memref<1x128xf32, #tpu.memory_space<hbm>> -> memref<128xf32, #tpu.memory_space<hbm>>
    %dma_wait3A_308 = arith.constant 99968 : i32
    %dma_wait3A_309 = tpu.memref_slice %arg11[%dma_wait3A_308] : memref<100096xf32, #tpu.memory_space<vmem>> -> memref<128xf32, #tpu.memory_space<vmem>>
    %dma_wait3A_310 = arith.constant 0 : i32
    %dma_wait3A_311 = tpu.memref_slice %arg5[%add3A_212, %dma_wait3A_310] : memref<64x128xf32, #tpu.memory_space<hbm>> -> memref<1x128xf32, #tpu.memory_space<hbm>>
    %dma_wait3A_312 = tpu.memref_squeeze %dma_wait3A_311 : memref<1x128xf32, #tpu.memory_space<hbm>> -> memref<128xf32, #tpu.memory_space<hbm>>
    tpu.wait_dma2 semaphore(%arg16 : memref<!tpu.dma_semaphore, #tpu.memory_space<semaphore_mem>>) src(%dma_wait3A_312 : memref<128xf32, #tpu.memory_space<hbm>>) dst(%dma_wait3A_309 : memref<128xf32, #tpu.memory_space<vmem>>)
    %dma_wait3A_313 = arith.constant 0 : i32
    %dma_wait3A_314 = tpu.memref_slice %arg3[%add3A_196, %dma_wait3A_313] : memref<64x16384xf32, #tpu.memory_space<hbm>> -> memref<1x4096xf32, #tpu.memory_space<hbm>>
    %dma_wait3A_315 = tpu.memref_squeeze %dma_wait3A_314 : memref<1x4096xf32, #tpu.memory_space<hbm>> -> memref<4096xf32, #tpu.memory_space<hbm>>
    %dma_wait3A_316 = arith.constant 0 : i32
    %dma_wait3A_317 = tpu.memref_slice %arg3[%add3A_196, %dma_wait3A_316] : memref<64x16384xf32, #tpu.memory_space<hbm>> -> memref<1x4096xf32, #tpu.memory_space<hbm>>
    %dma_wait3A_318 = tpu.memref_squeeze %dma_wait3A_317 : memref<1x4096xf32, #tpu.memory_space<hbm>> -> memref<4096xf32, #tpu.memory_space<hbm>>
    tpu.wait_dma2 semaphore(%arg14 : memref<!tpu.dma_semaphore, #tpu.memory_space<semaphore_mem>>) src(%dma_wait3A_318 : memref<4096xf32, #tpu.memory_space<hbm>>) dst(%arg9 : memref<4096xf32, #tpu.memory_space<vmem>>)
    %mul3A_319 = arith.constant 2 : i32
    %mul3A_320 = arith.muli %add3A, %mul3A_319 : i32
    %add3A_321 = arith.constant 1 : i32
    %add3A_322 = arith.addi %mul3A_320, %add3A_321 : i32
    %dma_start3A_323 = arith.constant 4096 : i32
    %dma_start3A_324 = tpu.memref_slice %arg3[%add3A_322, %dma_start3A_323] : memref<64x16384xf32, #tpu.memory_space<hbm>> -> memref<1x4096xf32, #tpu.memory_space<hbm>>
    %dma_start3A_325 = tpu.memref_squeeze %dma_start3A_324 : memref<1x4096xf32, #tpu.memory_space<hbm>> -> memref<4096xf32, #tpu.memory_space<hbm>>
    %dma_start3A_326 = arith.constant 4096 : i32
    %dma_start3A_327 = tpu.memref_slice %arg3[%add3A_322, %dma_start3A_326] : memref<64x16384xf32, #tpu.memory_space<hbm>> -> memref<1x4096xf32, #tpu.memory_space<hbm>>
    %dma_start3A_328 = tpu.memref_squeeze %dma_start3A_327 : memref<1x4096xf32, #tpu.memory_space<hbm>> -> memref<4096xf32, #tpu.memory_space<hbm>>
    tpu.enqueue_dma source(%dma_start3A_328 : memref<4096xf32, #tpu.memory_space<hbm>>) target(%arg10 : memref<4096xf32, #tpu.memory_space<vmem>>) target_semaphore(%arg15 : memref<!tpu.dma_semaphore, #tpu.memory_space<semaphore_mem>>)
    %scan3A_329 = arith.constant 0 : i32
    %scan3A_330 = arith.constant 256 : i32
    %scan3A_331 = arith.addi %scan3A_329, %scan3A_330 : i32
    %scan3A_332 = arith.constant 8 : i32
    %scan3A_333 = scf.for %scan3A_410 = %scan3A_329 to %scan3A_331 step %scan3A_332 iter_args(%scan3A_411 = %scan3A_207) -> (vector<16xf32>)  : i32 {
      %mul3A_412 = arith.constant 16 : i32
      %mul3A_413 = arith.muli %scan3A_410, %mul3A_412 : i32
      %add3A_414 = arith.constant 0 : i32
      %add3A_415 = arith.addi %add3A_414, %mul3A_413 : i32
      %get3A = arith.index_cast %add3A_415 : i32 to index
      %get3A_416 = tpu.vector_load %arg7[%get3A] {strides = array<i32>} : memref<16384xi32, #tpu.memory_space<vmem>>, vector<16xi32>,
      %gather3A = tpu.vector_load_idx %arg11[%get3A_416] : memref<100096xf32, #tpu.memory_space<vmem>>[vector<16xi32>], vector<16xf32>,
      %get3A_417 = arith.index_cast %mul3A_413 : i32 to index
      %get3A_418 = tpu.vector_load %arg9[%get3A_417] {strides = array<i32>} : memref<4096xf32, #tpu.memory_space<vmem>>, vector<16xf32>,
      %sub3A = arith.subf %get3A_418, %gather3A : vector<16xf32>
      %mul3A_419 = arith.mulf %sub3A, %sub3A : vector<16xf32>
      %add3A_420 = arith.addf %scan3A_411, %mul3A_419 : vector<16xf32>
      %scan3A_421 = arith.constant 1 : i32
      %scan3A_422 = arith.addi %scan3A_410, %scan3A_421 : i32
      %mul3A_423 = arith.constant 16 : i32
      %mul3A_424 = arith.muli %scan3A_422, %mul3A_423 : i32
      %add3A_425 = arith.constant 0 : i32
      %add3A_426 = arith.addi %add3A_425, %mul3A_424 : i32
      %get3A_427 = arith.index_cast %add3A_426 : i32 to index
      %get3A_428 = tpu.vector_load %arg7[%get3A_427] {strides = array<i32>} : memref<16384xi32, #tpu.memory_space<vmem>>, vector<16xi32>,
      %gather3A_429 = tpu.vector_load_idx %arg11[%get3A_428] : memref<100096xf32, #tpu.memory_space<vmem>>[vector<16xi32>], vector<16xf32>,
      %get3A_430 = arith.index_cast %mul3A_424 : i32 to index
      %get3A_431 = tpu.vector_load %arg9[%get3A_430] {strides = array<i32>} : memref<4096xf32, #tpu.memory_space<vmem>>, vector<16xf32>,
      %sub3A_432 = arith.subf %get3A_431, %gather3A_429 : vector<16xf32>
      %mul3A_433 = arith.mulf %sub3A_432, %sub3A_432 : vector<16xf32>
      %add3A_434 = arith.addf %add3A_420, %mul3A_433 : vector<16xf32>
      %scan3A_435 = arith.constant 2 : i32
      %scan3A_436 = arith.addi %scan3A_410, %scan3A_435 : i32
      %mul3A_437 = arith.constant 16 : i32
      %mul3A_438 = arith.muli %scan3A_436, %mul3A_437 : i32
      %add3A_439 = arith.constant 0 : i32
      %add3A_440 = arith.addi %add3A_439, %mul3A_438 : i32
      %get3A_441 = arith.index_cast %add3A_440 : i32 to index
      %get3A_442 = tpu.vector_load %arg7[%get3A_441] {strides = array<i32>} : memref<16384xi32, #tpu.memory_space<vmem>>, vector<16xi32>,
      %gather3A_443 = tpu.vector_load_idx %arg11[%get3A_442] : memref<100096xf32, #tpu.memory_space<vmem>>[vector<16xi32>], vector<16xf32>,
      %get3A_444 = arith.index_cast %mul3A_438 : i32 to index
      %get3A_445 = tpu.vector_load %arg9[%get3A_444] {strides = array<i32>} : memref<4096xf32, #tpu.memory_space<vmem>>, vector<16xf32>,
      %sub3A_446 = arith.subf %get3A_445, %gather3A_443 : vector<16xf32>
      %mul3A_447 = arith.mulf %sub3A_446, %sub3A_446 : vector<16xf32>
      %add3A_448 = arith.addf %add3A_434, %mul3A_447 : vector<16xf32>
      %scan3A_449 = arith.constant 3 : i32
      %scan3A_450 = arith.addi %scan3A_410, %scan3A_449 : i32
      %mul3A_451 = arith.constant 16 : i32
      %mul3A_452 = arith.muli %scan3A_450, %mul3A_451 : i32
      %add3A_453 = arith.constant 0 : i32
      %add3A_454 = arith.addi %add3A_453, %mul3A_452 : i32
      %get3A_455 = arith.index_cast %add3A_454 : i32 to index
      %get3A_456 = tpu.vector_load %arg7[%get3A_455] {strides = array<i32>} : memref<16384xi32, #tpu.memory_space<vmem>>, vector<16xi32>,
      %gather3A_457 = tpu.vector_load_idx %arg11[%get3A_456] : memref<100096xf32, #tpu.memory_space<vmem>>[vector<16xi32>], vector<16xf32>,
      %get3A_458 = arith.index_cast %mul3A_452 : i32 to index
      %get3A_459 = tpu.vector_load %arg9[%get3A_458] {strides = array<i32>} : memref<4096xf32, #tpu.memory_space<vmem>>, vector<16xf32>,
      %sub3A_460 = arith.subf %get3A_459, %gather3A_457 : vector<16xf32>
      %mul3A_461 = arith.mulf %sub3A_460, %sub3A_460 : vector<16xf32>
      %add3A_462 = arith.addf %add3A_448, %mul3A_461 : vector<16xf32>
      %scan3A_463 = arith.constant 4 : i32
      %scan3A_464 = arith.addi %scan3A_410, %scan3A_463 : i32
      %mul3A_465 = arith.constant 16 : i32
      %mul3A_466 = arith.muli %scan3A_464, %mul3A_465 : i32
      %add3A_467 = arith.constant 0 : i32
      %add3A_468 = arith.addi %add3A_467, %mul3A_466 : i32
      %get3A_469 = arith.index_cast %add3A_468 : i32 to index
      %get3A_470 = tpu.vector_load %arg7[%get3A_469] {strides = array<i32>} : memref<16384xi32, #tpu.memory_space<vmem>>, vector<16xi32>,
      %gather3A_471 = tpu.vector_load_idx %arg11[%get3A_470] : memref<100096xf32, #tpu.memory_space<vmem>>[vector<16xi32>], vector<16xf32>,
      %get3A_472 = arith.index_cast %mul3A_466 : i32 to index
      %get3A_473 = tpu.vector_load %arg9[%get3A_472] {strides = array<i32>} : memref<4096xf32, #tpu.memory_space<vmem>>, vector<16xf32>,
      %sub3A_474 = arith.subf %get3A_473, %gather3A_471 : vector<16xf32>
      %mul3A_475 = arith.mulf %sub3A_474, %sub3A_474 : vector<16xf32>
      %add3A_476 = arith.addf %add3A_462, %mul3A_475 : vector<16xf32>
      %scan3A_477 = arith.constant 5 : i32
      %scan3A_478 = arith.addi %scan3A_410, %scan3A_477 : i32
      %mul3A_479 = arith.constant 16 : i32
      %mul3A_480 = arith.muli %scan3A_478, %mul3A_479 : i32
      %add3A_481 = arith.constant 0 : i32
      %add3A_482 = arith.addi %add3A_481, %mul3A_480 : i32
      %get3A_483 = arith.index_cast %add3A_482 : i32 to index
      %get3A_484 = tpu.vector_load %arg7[%get3A_483] {strides = array<i32>} : memref<16384xi32, #tpu.memory_space<vmem>>, vector<16xi32>,
      %gather3A_485 = tpu.vector_load_idx %arg11[%get3A_484] : memref<100096xf32, #tpu.memory_space<vmem>>[vector<16xi32>], vector<16xf32>,
      %get3A_486 = arith.index_cast %mul3A_480 : i32 to index
      %get3A_487 = tpu.vector_load %arg9[%get3A_486] {strides = array<i32>} : memref<4096xf32, #tpu.memory_space<vmem>>, vector<16xf32>,
      %sub3A_488 = arith.subf %get3A_487, %gather3A_485 : vector<16xf32>
      %mul3A_489 = arith.mulf %sub3A_488, %sub3A_488 : vector<16xf32>
      %add3A_490 = arith.addf %add3A_476, %mul3A_489 : vector<16xf32>
      %scan3A_491 = arith.constant 6 : i32
      %scan3A_492 = arith.addi %scan3A_410, %scan3A_491 : i32
      %mul3A_493 = arith.constant 16 : i32
      %mul3A_494 = arith.muli %scan3A_492, %mul3A_493 : i32
      %add3A_495 = arith.constant 0 : i32
      %add3A_496 = arith.addi %add3A_495, %mul3A_494 : i32
      %get3A_497 = arith.index_cast %add3A_496 : i32 to index
      %get3A_498 = tpu.vector_load %arg7[%get3A_497] {strides = array<i32>} : memref<16384xi32, #tpu.memory_space<vmem>>, vector<16xi32>,
      %gather3A_499 = tpu.vector_load_idx %arg11[%get3A_498] : memref<100096xf32, #tpu.memory_space<vmem>>[vector<16xi32>], vector<16xf32>,
      %get3A_500 = arith.index_cast %mul3A_494 : i32 to index
      %get3A_501 = tpu.vector_load %arg9[%get3A_500] {strides = array<i32>} : memref<4096xf32, #tpu.memory_space<vmem>>, vector<16xf32>,
      %sub3A_502 = arith.subf %get3A_501, %gather3A_499 : vector<16xf32>
      %mul3A_503 = arith.mulf %sub3A_502, %sub3A_502 : vector<16xf32>
      %add3A_504 = arith.addf %add3A_490, %mul3A_503 : vector<16xf32>
      %scan3A_505 = arith.constant 7 : i32
      %scan3A_506 = arith.addi %scan3A_410, %scan3A_505 : i32
      %mul3A_507 = arith.constant 16 : i32
      %mul3A_508 = arith.muli %scan3A_506, %mul3A_507 : i32
      %add3A_509 = arith.constant 0 : i32
      %add3A_510 = arith.addi %add3A_509, %mul3A_508 : i32
      %get3A_511 = arith.index_cast %add3A_510 : i32 to index
      %get3A_512 = tpu.vector_load %arg7[%get3A_511] {strides = array<i32>} : memref<16384xi32, #tpu.memory_space<vmem>>, vector<16xi32>,
      %gather3A_513 = tpu.vector_load_idx %arg11[%get3A_512] : memref<100096xf32, #tpu.memory_space<vmem>>[vector<16xi32>], vector<16xf32>,
      %get3A_514 = arith.index_cast %mul3A_508 : i32 to index
      %get3A_515 = tpu.vector_load %arg9[%get3A_514] {strides = array<i32>} : memref<4096xf32, #tpu.memory_space<vmem>>, vector<16xf32>,
      %sub3A_516 = arith.subf %get3A_515, %gather3A_513 : vector<16xf32>
      %mul3A_517 = arith.mulf %sub3A_516, %sub3A_516 : vector<16xf32>
      %add3A_518 = arith.addf %add3A_504, %mul3A_517 : vector<16xf32>
      scf.yield %add3A_518 : vector<16xf32>
    }
    %scan3A_334 = arith.constant 256 : i32
    %dma_wait3A_335 = arith.constant 4096 : i32
    %dma_wait3A_336 = tpu.memref_slice %arg3[%add3A_322, %dma_wait3A_335] : memref<64x16384xf32, #tpu.memory_space<hbm>> -> memref<1x4096xf32, #tpu.memory_space<hbm>>
    %dma_wait3A_337 = tpu.memref_squeeze %dma_wait3A_336 : memref<1x4096xf32, #tpu.memory_space<hbm>> -> memref<4096xf32, #tpu.memory_space<hbm>>
    %dma_wait3A_338 = arith.constant 4096 : i32
    %dma_wait3A_339 = tpu.memref_slice %arg3[%add3A_322, %dma_wait3A_338] : memref<64x16384xf32, #tpu.memory_space<hbm>> -> memref<1x4096xf32, #tpu.memory_space<hbm>>
    %dma_wait3A_340 = tpu.memref_squeeze %dma_wait3A_339 : memref<1x4096xf32, #tpu.memory_space<hbm>> -> memref<4096xf32, #tpu.memory_space<hbm>>
    tpu.wait_dma2 semaphore(%arg15 : memref<!tpu.dma_semaphore, #tpu.memory_space<semaphore_mem>>) src(%dma_wait3A_340 : memref<4096xf32, #tpu.memory_space<hbm>>) dst(%arg10 : memref<4096xf32, #tpu.memory_space<vmem>>)
    %mul3A_341 = arith.constant 2 : i32
    %mul3A_342 = arith.muli %add3A, %mul3A_341 : i32
    %add3A_343 = arith.constant 1 : i32
    %add3A_344 = arith.addi %mul3A_342, %add3A_343 : i32
    %dma_start3A_345 = arith.constant 8192 : i32
    %dma_start3A_346 = tpu.memref_slice %arg3[%add3A_344, %dma_start3A_345] : memref<64x16384xf32, #tpu.memory_space<hbm>> -> memref<1x4096xf32, #tpu.memory_space<hbm>>
    %dma_start3A_347 = tpu.memref_squeeze %dma_start3A_346 : memref<1x4096xf32, #tpu.memory_space<hbm>> -> memref<4096xf32, #tpu.memory_space<hbm>>
    %dma_start3A_348 = arith.constant 8192 : i32
    %dma_start3A_349 = tpu.memref_slice %arg3[%add3A_344, %dma_start3A_348] : memref<64x16384xf32, #tpu.memory_space<hbm>> -> memref<1x4096xf32, #tpu.memory_space<hbm>>
    %dma_start3A_350 = tpu.memref_squeeze %dma_start3A_349 : memref<1x4096xf32, #tpu.memory_space<hbm>> -> memref<4096xf32, #tpu.memory_space<hbm>>
    tpu.enqueue_dma source(%dma_start3A_350 : memref<4096xf32, #tpu.memory_space<hbm>>) target(%arg9 : memref<4096xf32, #tpu.memory_space<vmem>>) target_semaphore(%arg14 : memref<!tpu.dma_semaphore, #tpu.memory_space<semaphore_mem>>)
    %scan3A_351 = arith.constant 0 : i32
    %scan3A_352 = arith.constant 256 : i32
    %scan3A_353 = arith.addi %scan3A_351, %scan3A_352 : i32
    %scan3A_354 = arith.constant 8 : i32
    %scan3A_355 = scf.for %scan3A_410 = %scan3A_351 to %scan3A_353 step %scan3A_354 iter_args(%scan3A_411 = %scan3A_333) -> (vector<16xf32>)  : i32 {
      %mul3A_412 = arith.constant 16 : i32
      %mul3A_413 = arith.muli %scan3A_410, %mul3A_412 : i32
      %add3A_414 = arith.constant 4096 : i32
      %add3A_415 = arith.addi %add3A_414, %mul3A_413 : i32
      %get3A = arith.index_cast %add3A_415 : i32 to index
      %get3A_416 = tpu.vector_load %arg7[%get3A] {strides = array<i32>} : memref<16384xi32, #tpu.memory_space<vmem>>, vector<16xi32>,
      %gather3A = tpu.vector_load_idx %arg11[%get3A_416] : memref<100096xf32, #tpu.memory_space<vmem>>[vector<16xi32>], vector<16xf32>,
      %get3A_417 = arith.index_cast %mul3A_413 : i32 to index
      %get3A_418 = tpu.vector_load %arg10[%get3A_417] {strides = array<i32>} : memref<4096xf32, #tpu.memory_space<vmem>>, vector<16xf32>,
      %sub3A = arith.subf %get3A_418, %gather3A : vector<16xf32>
      %mul3A_419 = arith.mulf %sub3A, %sub3A : vector<16xf32>
      %add3A_420 = arith.addf %scan3A_411, %mul3A_419 : vector<16xf32>
      %scan3A_421 = arith.constant 1 : i32
      %scan3A_422 = arith.addi %scan3A_410, %scan3A_421 : i32
      %mul3A_423 = arith.constant 16 : i32
      %mul3A_424 = arith.muli %scan3A_422, %mul3A_423 : i32
      %add3A_425 = arith.constant 4096 : i32
      %add3A_426 = arith.addi %add3A_425, %mul3A_424 : i32
      %get3A_427 = arith.index_cast %add3A_426 : i32 to index
      %get3A_428 = tpu.vector_load %arg7[%get3A_427] {strides = array<i32>} : memref<16384xi32, #tpu.memory_space<vmem>>, vector<16xi32>,
      %gather3A_429 = tpu.vector_load_idx %arg11[%get3A_428] : memref<100096xf32, #tpu.memory_space<vmem>>[vector<16xi32>], vector<16xf32>,
      %get3A_430 = arith.index_cast %mul3A_424 : i32 to index
      %get3A_431 = tpu.vector_load %arg10[%get3A_430] {strides = array<i32>} : memref<4096xf32, #tpu.memory_space<vmem>>, vector<16xf32>,
      %sub3A_432 = arith.subf %get3A_431, %gather3A_429 : vector<16xf32>
      %mul3A_433 = arith.mulf %sub3A_432, %sub3A_432 : vector<16xf32>
      %add3A_434 = arith.addf %add3A_420, %mul3A_433 : vector<16xf32>
      %scan3A_435 = arith.constant 2 : i32
      %scan3A_436 = arith.addi %scan3A_410, %scan3A_435 : i32
      %mul3A_437 = arith.constant 16 : i32
      %mul3A_438 = arith.muli %scan3A_436, %mul3A_437 : i32
      %add3A_439 = arith.constant 4096 : i32
      %add3A_440 = arith.addi %add3A_439, %mul3A_438 : i32
      %get3A_441 = arith.index_cast %add3A_440 : i32 to index
      %get3A_442 = tpu.vector_load %arg7[%get3A_441] {strides = array<i32>} : memref<16384xi32, #tpu.memory_space<vmem>>, vector<16xi32>,
      %gather3A_443 = tpu.vector_load_idx %arg11[%get3A_442] : memref<100096xf32, #tpu.memory_space<vmem>>[vector<16xi32>], vector<16xf32>,
      %get3A_444 = arith.index_cast %mul3A_438 : i32 to index
      %get3A_445 = tpu.vector_load %arg10[%get3A_444] {strides = array<i32>} : memref<4096xf32, #tpu.memory_space<vmem>>, vector<16xf32>,
      %sub3A_446 = arith.subf %get3A_445, %gather3A_443 : vector<16xf32>
      %mul3A_447 = arith.mulf %sub3A_446, %sub3A_446 : vector<16xf32>
      %add3A_448 = arith.addf %add3A_434, %mul3A_447 : vector<16xf32>
      %scan3A_449 = arith.constant 3 : i32
      %scan3A_450 = arith.addi %scan3A_410, %scan3A_449 : i32
      %mul3A_451 = arith.constant 16 : i32
      %mul3A_452 = arith.muli %scan3A_450, %mul3A_451 : i32
      %add3A_453 = arith.constant 4096 : i32
      %add3A_454 = arith.addi %add3A_453, %mul3A_452 : i32
      %get3A_455 = arith.index_cast %add3A_454 : i32 to index
      %get3A_456 = tpu.vector_load %arg7[%get3A_455] {strides = array<i32>} : memref<16384xi32, #tpu.memory_space<vmem>>, vector<16xi32>,
      %gather3A_457 = tpu.vector_load_idx %arg11[%get3A_456] : memref<100096xf32, #tpu.memory_space<vmem>>[vector<16xi32>], vector<16xf32>,
      %get3A_458 = arith.index_cast %mul3A_452 : i32 to index
      %get3A_459 = tpu.vector_load %arg10[%get3A_458] {strides = array<i32>} : memref<4096xf32, #tpu.memory_space<vmem>>, vector<16xf32>,
      %sub3A_460 = arith.subf %get3A_459, %gather3A_457 : vector<16xf32>
      %mul3A_461 = arith.mulf %sub3A_460, %sub3A_460 : vector<16xf32>
      %add3A_462 = arith.addf %add3A_448, %mul3A_461 : vector<16xf32>
      %scan3A_463 = arith.constant 4 : i32
      %scan3A_464 = arith.addi %scan3A_410, %scan3A_463 : i32
      %mul3A_465 = arith.constant 16 : i32
      %mul3A_466 = arith.muli %scan3A_464, %mul3A_465 : i32
      %add3A_467 = arith.constant 4096 : i32
      %add3A_468 = arith.addi %add3A_467, %mul3A_466 : i32
      %get3A_469 = arith.index_cast %add3A_468 : i32 to index
      %get3A_470 = tpu.vector_load %arg7[%get3A_469] {strides = array<i32>} : memref<16384xi32, #tpu.memory_space<vmem>>, vector<16xi32>,
      %gather3A_471 = tpu.vector_load_idx %arg11[%get3A_470] : memref<100096xf32, #tpu.memory_space<vmem>>[vector<16xi32>], vector<16xf32>,
      %get3A_472 = arith.index_cast %mul3A_466 : i32 to index
      %get3A_473 = tpu.vector_load %arg10[%get3A_472] {strides = array<i32>} : memref<4096xf32, #tpu.memory_space<vmem>>, vector<16xf32>,
      %sub3A_474 = arith.subf %get3A_473, %gather3A_471 : vector<16xf32>
      %mul3A_475 = arith.mulf %sub3A_474, %sub3A_474 : vector<16xf32>
      %add3A_476 = arith.addf %add3A_462, %mul3A_475 : vector<16xf32>
      %scan3A_477 = arith.constant 5 : i32
      %scan3A_478 = arith.addi %scan3A_410, %scan3A_477 : i32
      %mul3A_479 = arith.constant 16 : i32
      %mul3A_480 = arith.muli %scan3A_478, %mul3A_479 : i32
      %add3A_481 = arith.constant 4096 : i32
      %add3A_482 = arith.addi %add3A_481, %mul3A_480 : i32
      %get3A_483 = arith.index_cast %add3A_482 : i32 to index
      %get3A_484 = tpu.vector_load %arg7[%get3A_483] {strides = array<i32>} : memref<16384xi32, #tpu.memory_space<vmem>>, vector<16xi32>,
      %gather3A_485 = tpu.vector_load_idx %arg11[%get3A_484] : memref<100096xf32, #tpu.memory_space<vmem>>[vector<16xi32>], vector<16xf32>,
      %get3A_486 = arith.index_cast %mul3A_480 : i32 to index
      %get3A_487 = tpu.vector_load %arg10[%get3A_486] {strides = array<i32>} : memref<4096xf32, #tpu.memory_space<vmem>>, vector<16xf32>,
      %sub3A_488 = arith.subf %get3A_487, %gather3A_485 : vector<16xf32>
      %mul3A_489 = arith.mulf %sub3A_488, %sub3A_488 : vector<16xf32>
      %add3A_490 = arith.addf %add3A_476, %mul3A_489 : vector<16xf32>
      %scan3A_491 = arith.constant 6 : i32
      %scan3A_492 = arith.addi %scan3A_410, %scan3A_491 : i32
      %mul3A_493 = arith.constant 16 : i32
      %mul3A_494 = arith.muli %scan3A_492, %mul3A_493 : i32
      %add3A_495 = arith.constant 4096 : i32
      %add3A_496 = arith.addi %add3A_495, %mul3A_494 : i32
      %get3A_497 = arith.index_cast %add3A_496 : i32 to index
      %get3A_498 = tpu.vector_load %arg7[%get3A_497] {strides = array<i32>} : memref<16384xi32, #tpu.memory_space<vmem>>, vector<16xi32>,
      %gather3A_499 = tpu.vector_load_idx %arg11[%get3A_498] : memref<100096xf32, #tpu.memory_space<vmem>>[vector<16xi32>], vector<16xf32>,
      %get3A_500 = arith.index_cast %mul3A_494 : i32 to index
      %get3A_501 = tpu.vector_load %arg10[%get3A_500] {strides = array<i32>} : memref<4096xf32, #tpu.memory_space<vmem>>, vector<16xf32>,
      %sub3A_502 = arith.subf %get3A_501, %gather3A_499 : vector<16xf32>
      %mul3A_503 = arith.mulf %sub3A_502, %sub3A_502 : vector<16xf32>
      %add3A_504 = arith.addf %add3A_490, %mul3A_503 : vector<16xf32>
      %scan3A_505 = arith.constant 7 : i32
      %scan3A_506 = arith.addi %scan3A_410, %scan3A_505 : i32
      %mul3A_507 = arith.constant 16 : i32
      %mul3A_508 = arith.muli %scan3A_506, %mul3A_507 : i32
      %add3A_509 = arith.constant 4096 : i32
      %add3A_510 = arith.addi %add3A_509, %mul3A_508 : i32
      %get3A_511 = arith.index_cast %add3A_510 : i32 to index
      %get3A_512 = tpu.vector_load %arg7[%get3A_511] {strides = array<i32>} : memref<16384xi32, #tpu.memory_space<vmem>>, vector<16xi32>,
      %gather3A_513 = tpu.vector_load_idx %arg11[%get3A_512] : memref<100096xf32, #tpu.memory_space<vmem>>[vector<16xi32>], vector<16xf32>,
      %get3A_514 = arith.index_cast %mul3A_508 : i32 to index
      %get3A_515 = tpu.vector_load %arg10[%get3A_514] {strides = array<i32>} : memref<4096xf32, #tpu.memory_space<vmem>>, vector<16xf32>,
      %sub3A_516 = arith.subf %get3A_515, %gather3A_513 : vector<16xf32>
      %mul3A_517 = arith.mulf %sub3A_516, %sub3A_516 : vector<16xf32>
      %add3A_518 = arith.addf %add3A_504, %mul3A_517 : vector<16xf32>
      scf.yield %add3A_518 : vector<16xf32>
    }
    %scan3A_356 = arith.constant 256 : i32
    %dma_wait3A_357 = arith.constant 8192 : i32
    %dma_wait3A_358 = tpu.memref_slice %arg3[%add3A_344, %dma_wait3A_357] : memref<64x16384xf32, #tpu.memory_space<hbm>> -> memref<1x4096xf32, #tpu.memory_space<hbm>>
    %dma_wait3A_359 = tpu.memref_squeeze %dma_wait3A_358 : memref<1x4096xf32, #tpu.memory_space<hbm>> -> memref<4096xf32, #tpu.memory_space<hbm>>
    %dma_wait3A_360 = arith.constant 8192 : i32
    %dma_wait3A_361 = tpu.memref_slice %arg3[%add3A_344, %dma_wait3A_360] : memref<64x16384xf32, #tpu.memory_space<hbm>> -> memref<1x4096xf32, #tpu.memory_space<hbm>>
    %dma_wait3A_362 = tpu.memref_squeeze %dma_wait3A_361 : memref<1x4096xf32, #tpu.memory_space<hbm>> -> memref<4096xf32, #tpu.memory_space<hbm>>
    tpu.wait_dma2 semaphore(%arg14 : memref<!tpu.dma_semaphore, #tpu.memory_space<semaphore_mem>>) src(%dma_wait3A_362 : memref<4096xf32, #tpu.memory_space<hbm>>) dst(%arg9 : memref<4096xf32, #tpu.memory_space<vmem>>)
    %mul3A_363 = arith.constant 2 : i32
    %mul3A_364 = arith.muli %add3A, %mul3A_363 : i32
    %add3A_365 = arith.constant 1 : i32
    %add3A_366 = arith.addi %mul3A_364, %add3A_365 : i32
    %dma_start3A_367 = arith.constant 12288 : i32
    %dma_start3A_368 = tpu.memref_slice %arg3[%add3A_366, %dma_start3A_367] : memref<64x16384xf32, #tpu.memory_space<hbm>> -> memref<1x4096xf32, #tpu.memory_space<hbm>>
    %dma_start3A_369 = tpu.memref_squeeze %dma_start3A_368 : memref<1x4096xf32, #tpu.memory_space<hbm>> -> memref<4096xf32, #tpu.memory_space<hbm>>
    %dma_start3A_370 = arith.constant 12288 : i32
    %dma_start3A_371 = tpu.memref_slice %arg3[%add3A_366, %dma_start3A_370] : memref<64x16384xf32, #tpu.memory_space<hbm>> -> memref<1x4096xf32, #tpu.memory_space<hbm>>
    %dma_start3A_372 = tpu.memref_squeeze %dma_start3A_371 : memref<1x4096xf32, #tpu.memory_space<hbm>> -> memref<4096xf32, #tpu.memory_space<hbm>>
    tpu.enqueue_dma source(%dma_start3A_372 : memref<4096xf32, #tpu.memory_space<hbm>>) target(%arg10 : memref<4096xf32, #tpu.memory_space<vmem>>) target_semaphore(%arg15 : memref<!tpu.dma_semaphore, #tpu.memory_space<semaphore_mem>>)
    %scan3A_373 = arith.constant 0 : i32
    %scan3A_374 = arith.constant 256 : i32
    %scan3A_375 = arith.addi %scan3A_373, %scan3A_374 : i32
    %scan3A_376 = arith.constant 8 : i32
    %scan3A_377 = scf.for %scan3A_410 = %scan3A_373 to %scan3A_375 step %scan3A_376 iter_args(%scan3A_411 = %scan3A_355) -> (vector<16xf32>)  : i32 {
      %mul3A_412 = arith.constant 16 : i32
      %mul3A_413 = arith.muli %scan3A_410, %mul3A_412 : i32
      %add3A_414 = arith.constant 8192 : i32
      %add3A_415 = arith.addi %add3A_414, %mul3A_413 : i32
      %get3A = arith.index_cast %add3A_415 : i32 to index
      %get3A_416 = tpu.vector_load %arg7[%get3A] {strides = array<i32>} : memref<16384xi32, #tpu.memory_space<vmem>>, vector<16xi32>,
      %gather3A = tpu.vector_load_idx %arg11[%get3A_416] : memref<100096xf32, #tpu.memory_space<vmem>>[vector<16xi32>], vector<16xf32>,
      %get3A_417 = arith.index_cast %mul3A_413 : i32 to index
      %get3A_418 = tpu.vector_load %arg9[%get3A_417] {strides = array<i32>} : memref<4096xf32, #tpu.memory_space<vmem>>, vector<16xf32>,
      %sub3A = arith.subf %get3A_418, %gather3A : vector<16xf32>
      %mul3A_419 = arith.mulf %sub3A, %sub3A : vector<16xf32>
      %add3A_420 = arith.addf %scan3A_411, %mul3A_419 : vector<16xf32>
      %scan3A_421 = arith.constant 1 : i32
      %scan3A_422 = arith.addi %scan3A_410, %scan3A_421 : i32
      %mul3A_423 = arith.constant 16 : i32
      %mul3A_424 = arith.muli %scan3A_422, %mul3A_423 : i32
      %add3A_425 = arith.constant 8192 : i32
      %add3A_426 = arith.addi %add3A_425, %mul3A_424 : i32
      %get3A_427 = arith.index_cast %add3A_426 : i32 to index
      %get3A_428 = tpu.vector_load %arg7[%get3A_427] {strides = array<i32>} : memref<16384xi32, #tpu.memory_space<vmem>>, vector<16xi32>,
      %gather3A_429 = tpu.vector_load_idx %arg11[%get3A_428] : memref<100096xf32, #tpu.memory_space<vmem>>[vector<16xi32>], vector<16xf32>,
      %get3A_430 = arith.index_cast %mul3A_424 : i32 to index
      %get3A_431 = tpu.vector_load %arg9[%get3A_430] {strides = array<i32>} : memref<4096xf32, #tpu.memory_space<vmem>>, vector<16xf32>,
      %sub3A_432 = arith.subf %get3A_431, %gather3A_429 : vector<16xf32>
      %mul3A_433 = arith.mulf %sub3A_432, %sub3A_432 : vector<16xf32>
      %add3A_434 = arith.addf %add3A_420, %mul3A_433 : vector<16xf32>
      %scan3A_435 = arith.constant 2 : i32
      %scan3A_436 = arith.addi %scan3A_410, %scan3A_435 : i32
      %mul3A_437 = arith.constant 16 : i32
      %mul3A_438 = arith.muli %scan3A_436, %mul3A_437 : i32
      %add3A_439 = arith.constant 8192 : i32
      %add3A_440 = arith.addi %add3A_439, %mul3A_438 : i32
      %get3A_441 = arith.index_cast %add3A_440 : i32 to index
      %get3A_442 = tpu.vector_load %arg7[%get3A_441] {strides = array<i32>} : memref<16384xi32, #tpu.memory_space<vmem>>, vector<16xi32>,
      %gather3A_443 = tpu.vector_load_idx %arg11[%get3A_442] : memref<100096xf32, #tpu.memory_space<vmem>>[vector<16xi32>], vector<16xf32>,
      %get3A_444 = arith.index_cast %mul3A_438 : i32 to index
      %get3A_445 = tpu.vector_load %arg9[%get3A_444] {strides = array<i32>} : memref<4096xf32, #tpu.memory_space<vmem>>, vector<16xf32>,
      %sub3A_446 = arith.subf %get3A_445, %gather3A_443 : vector<16xf32>
      %mul3A_447 = arith.mulf %sub3A_446, %sub3A_446 : vector<16xf32>
      %add3A_448 = arith.addf %add3A_434, %mul3A_447 : vector<16xf32>
      %scan3A_449 = arith.constant 3 : i32
      %scan3A_450 = arith.addi %scan3A_410, %scan3A_449 : i32
      %mul3A_451 = arith.constant 16 : i32
      %mul3A_452 = arith.muli %scan3A_450, %mul3A_451 : i32
      %add3A_453 = arith.constant 8192 : i32
      %add3A_454 = arith.addi %add3A_453, %mul3A_452 : i32
      %get3A_455 = arith.index_cast %add3A_454 : i32 to index
      %get3A_456 = tpu.vector_load %arg7[%get3A_455] {strides = array<i32>} : memref<16384xi32, #tpu.memory_space<vmem>>, vector<16xi32>,
      %gather3A_457 = tpu.vector_load_idx %arg11[%get3A_456] : memref<100096xf32, #tpu.memory_space<vmem>>[vector<16xi32>], vector<16xf32>,
      %get3A_458 = arith.index_cast %mul3A_452 : i32 to index
      %get3A_459 = tpu.vector_load %arg9[%get3A_458] {strides = array<i32>} : memref<4096xf32, #tpu.memory_space<vmem>>, vector<16xf32>,
      %sub3A_460 = arith.subf %get3A_459, %gather3A_457 : vector<16xf32>
      %mul3A_461 = arith.mulf %sub3A_460, %sub3A_460 : vector<16xf32>
      %add3A_462 = arith.addf %add3A_448, %mul3A_461 : vector<16xf32>
      %scan3A_463 = arith.constant 4 : i32
      %scan3A_464 = arith.addi %scan3A_410, %scan3A_463 : i32
      %mul3A_465 = arith.constant 16 : i32
      %mul3A_466 = arith.muli %scan3A_464, %mul3A_465 : i32
      %add3A_467 = arith.constant 8192 : i32
      %add3A_468 = arith.addi %add3A_467, %mul3A_466 : i32
      %get3A_469 = arith.index_cast %add3A_468 : i32 to index
      %get3A_470 = tpu.vector_load %arg7[%get3A_469] {strides = array<i32>} : memref<16384xi32, #tpu.memory_space<vmem>>, vector<16xi32>,
      %gather3A_471 = tpu.vector_load_idx %arg11[%get3A_470] : memref<100096xf32, #tpu.memory_space<vmem>>[vector<16xi32>], vector<16xf32>,
      %get3A_472 = arith.index_cast %mul3A_466 : i32 to index
      %get3A_473 = tpu.vector_load %arg9[%get3A_472] {strides = array<i32>} : memref<4096xf32, #tpu.memory_space<vmem>>, vector<16xf32>,
      %sub3A_474 = arith.subf %get3A_473, %gather3A_471 : vector<16xf32>
      %mul3A_475 = arith.mulf %sub3A_474, %sub3A_474 : vector<16xf32>
      %add3A_476 = arith.addf %add3A_462, %mul3A_475 : vector<16xf32>
      %scan3A_477 = arith.constant 5 : i32
      %scan3A_478 = arith.addi %scan3A_410, %scan3A_477 : i32
      %mul3A_479 = arith.constant 16 : i32
      %mul3A_480 = arith.muli %scan3A_478, %mul3A_479 : i32
      %add3A_481 = arith.constant 8192 : i32
      %add3A_482 = arith.addi %add3A_481, %mul3A_480 : i32
      %get3A_483 = arith.index_cast %add3A_482 : i32 to index
      %get3A_484 = tpu.vector_load %arg7[%get3A_483] {strides = array<i32>} : memref<16384xi32, #tpu.memory_space<vmem>>, vector<16xi32>,
      %gather3A_485 = tpu.vector_load_idx %arg11[%get3A_484] : memref<100096xf32, #tpu.memory_space<vmem>>[vector<16xi32>], vector<16xf32>,
      %get3A_486 = arith.index_cast %mul3A_480 : i32 to index
      %get3A_487 = tpu.vector_load %arg9[%get3A_486] {strides = array<i32>} : memref<4096xf32, #tpu.memory_space<vmem>>, vector<16xf32>,
      %sub3A_488 = arith.subf %get3A_487, %gather3A_485 : vector<16xf32>
      %mul3A_489 = arith.mulf %sub3A_488, %sub3A_488 : vector<16xf32>
      %add3A_490 = arith.addf %add3A_476, %mul3A_489 : vector<16xf32>
      %scan3A_491 = arith.constant 6 : i32
      %scan3A_492 = arith.addi %scan3A_410, %scan3A_491 : i32
      %mul3A_493 = arith.constant 16 : i32
      %mul3A_494 = arith.muli %scan3A_492, %mul3A_493 : i32
      %add3A_495 = arith.constant 8192 : i32
      %add3A_496 = arith.addi %add3A_495, %mul3A_494 : i32
      %get3A_497 = arith.index_cast %add3A_496 : i32 to index
      %get3A_498 = tpu.vector_load %arg7[%get3A_497] {strides = array<i32>} : memref<16384xi32, #tpu.memory_space<vmem>>, vector<16xi32>,
      %gather3A_499 = tpu.vector_load_idx %arg11[%get3A_498] : memref<100096xf32, #tpu.memory_space<vmem>>[vector<16xi32>], vector<16xf32>,
      %get3A_500 = arith.index_cast %mul3A_494 : i32 to index
      %get3A_501 = tpu.vector_load %arg9[%get3A_500] {strides = array<i32>} : memref<4096xf32, #tpu.memory_space<vmem>>, vector<16xf32>,
      %sub3A_502 = arith.subf %get3A_501, %gather3A_499 : vector<16xf32>
      %mul3A_503 = arith.mulf %sub3A_502, %sub3A_502 : vector<16xf32>
      %add3A_504 = arith.addf %add3A_490, %mul3A_503 : vector<16xf32>
      %scan3A_505 = arith.constant 7 : i32
      %scan3A_506 = arith.addi %scan3A_410, %scan3A_505 : i32
      %mul3A_507 = arith.constant 16 : i32
      %mul3A_508 = arith.muli %scan3A_506, %mul3A_507 : i32
      %add3A_509 = arith.constant 8192 : i32
      %add3A_510 = arith.addi %add3A_509, %mul3A_508 : i32
      %get3A_511 = arith.index_cast %add3A_510 : i32 to index
      %get3A_512 = tpu.vector_load %arg7[%get3A_511] {strides = array<i32>} : memref<16384xi32, #tpu.memory_space<vmem>>, vector<16xi32>,
      %gather3A_513 = tpu.vector_load_idx %arg11[%get3A_512] : memref<100096xf32, #tpu.memory_space<vmem>>[vector<16xi32>], vector<16xf32>,
      %get3A_514 = arith.index_cast %mul3A_508 : i32 to index
      %get3A_515 = tpu.vector_load %arg9[%get3A_514] {strides = array<i32>} : memref<4096xf32, #tpu.memory_space<vmem>>, vector<16xf32>,
      %sub3A_516 = arith.subf %get3A_515, %gather3A_513 : vector<16xf32>
      %mul3A_517 = arith.mulf %sub3A_516, %sub3A_516 : vector<16xf32>
      %add3A_518 = arith.addf %add3A_504, %mul3A_517 : vector<16xf32>
      scf.yield %add3A_518 : vector<16xf32>
    }
    %scan3A_378 = arith.constant 256 : i32
    %dma_wait3A_379 = arith.constant 12288 : i32
    %dma_wait3A_380 = tpu.memref_slice %arg3[%add3A_366, %dma_wait3A_379] : memref<64x16384xf32, #tpu.memory_space<hbm>> -> memref<1x4096xf32, #tpu.memory_space<hbm>>
    %dma_wait3A_381 = tpu.memref_squeeze %dma_wait3A_380 : memref<1x4096xf32, #tpu.memory_space<hbm>> -> memref<4096xf32, #tpu.memory_space<hbm>>
    %dma_wait3A_382 = arith.constant 12288 : i32
    %dma_wait3A_383 = tpu.memref_slice %arg3[%add3A_366, %dma_wait3A_382] : memref<64x16384xf32, #tpu.memory_space<hbm>> -> memref<1x4096xf32, #tpu.memory_space<hbm>>
    %dma_wait3A_384 = tpu.memref_squeeze %dma_wait3A_383 : memref<1x4096xf32, #tpu.memory_space<hbm>> -> memref<4096xf32, #tpu.memory_space<hbm>>
    tpu.wait_dma2 semaphore(%arg15 : memref<!tpu.dma_semaphore, #tpu.memory_space<semaphore_mem>>) src(%dma_wait3A_384 : memref<4096xf32, #tpu.memory_space<hbm>>) dst(%arg10 : memref<4096xf32, #tpu.memory_space<vmem>>)
    %scan3A_385 = arith.constant 0 : i32
    %scan3A_386 = arith.constant 256 : i32
    %scan3A_387 = arith.addi %scan3A_385, %scan3A_386 : i32
    %scan3A_388 = arith.constant 8 : i32
    %scan3A_389 = scf.for %scan3A_410 = %scan3A_385 to %scan3A_387 step %scan3A_388 iter_args(%scan3A_411 = %scan3A_377) -> (vector<16xf32>)  : i32 {
      %mul3A_412 = arith.constant 16 : i32
      %mul3A_413 = arith.muli %scan3A_410, %mul3A_412 : i32
      %add3A_414 = arith.constant 12288 : i32
      %add3A_415 = arith.addi %add3A_414, %mul3A_413 : i32
      %get3A = arith.index_cast %add3A_415 : i32 to index
      %get3A_416 = tpu.vector_load %arg7[%get3A] {strides = array<i32>} : memref<16384xi32, #tpu.memory_space<vmem>>, vector<16xi32>,
      %gather3A = tpu.vector_load_idx %arg11[%get3A_416] : memref<100096xf32, #tpu.memory_space<vmem>>[vector<16xi32>], vector<16xf32>,
      %get3A_417 = arith.index_cast %mul3A_413 : i32 to index
      %get3A_418 = tpu.vector_load %arg10[%get3A_417] {strides = array<i32>} : memref<4096xf32, #tpu.memory_space<vmem>>, vector<16xf32>,
      %sub3A = arith.subf %get3A_418, %gather3A : vector<16xf32>
      %mul3A_419 = arith.mulf %sub3A, %sub3A : vector<16xf32>
      %add3A_420 = arith.addf %scan3A_411, %mul3A_419 : vector<16xf32>
      %scan3A_421 = arith.constant 1 : i32
      %scan3A_422 = arith.addi %scan3A_410, %scan3A_421 : i32
      %mul3A_423 = arith.constant 16 : i32
      %mul3A_424 = arith.muli %scan3A_422, %mul3A_423 : i32
      %add3A_425 = arith.constant 12288 : i32
      %add3A_426 = arith.addi %add3A_425, %mul3A_424 : i32
      %get3A_427 = arith.index_cast %add3A_426 : i32 to index
      %get3A_428 = tpu.vector_load %arg7[%get3A_427] {strides = array<i32>} : memref<16384xi32, #tpu.memory_space<vmem>>, vector<16xi32>,
      %gather3A_429 = tpu.vector_load_idx %arg11[%get3A_428] : memref<100096xf32, #tpu.memory_space<vmem>>[vector<16xi32>], vector<16xf32>,
      %get3A_430 = arith.index_cast %mul3A_424 : i32 to index
      %get3A_431 = tpu.vector_load %arg10[%get3A_430] {strides = array<i32>} : memref<4096xf32, #tpu.memory_space<vmem>>, vector<16xf32>,
      %sub3A_432 = arith.subf %get3A_431, %gather3A_429 : vector<16xf32>
      %mul3A_433 = arith.mulf %sub3A_432, %sub3A_432 : vector<16xf32>
      %add3A_434 = arith.addf %add3A_420, %mul3A_433 : vector<16xf32>
      %scan3A_435 = arith.constant 2 : i32
      %scan3A_436 = arith.addi %scan3A_410, %scan3A_435 : i32
      %mul3A_437 = arith.constant 16 : i32
      %mul3A_438 = arith.muli %scan3A_436, %mul3A_437 : i32
      %add3A_439 = arith.constant 12288 : i32
      %add3A_440 = arith.addi %add3A_439, %mul3A_438 : i32
      %get3A_441 = arith.index_cast %add3A_440 : i32 to index
      %get3A_442 = tpu.vector_load %arg7[%get3A_441] {strides = array<i32>} : memref<16384xi32, #tpu.memory_space<vmem>>, vector<16xi32>,
      %gather3A_443 = tpu.vector_load_idx %arg11[%get3A_442] : memref<100096xf32, #tpu.memory_space<vmem>>[vector<16xi32>], vector<16xf32>,
      %get3A_444 = arith.index_cast %mul3A_438 : i32 to index
      %get3A_445 = tpu.vector_load %arg10[%get3A_444] {strides = array<i32>} : memref<4096xf32, #tpu.memory_space<vmem>>, vector<16xf32>,
      %sub3A_446 = arith.subf %get3A_445, %gather3A_443 : vector<16xf32>
      %mul3A_447 = arith.mulf %sub3A_446, %sub3A_446 : vector<16xf32>
      %add3A_448 = arith.addf %add3A_434, %mul3A_447 : vector<16xf32>
      %scan3A_449 = arith.constant 3 : i32
      %scan3A_450 = arith.addi %scan3A_410, %scan3A_449 : i32
      %mul3A_451 = arith.constant 16 : i32
      %mul3A_452 = arith.muli %scan3A_450, %mul3A_451 : i32
      %add3A_453 = arith.constant 12288 : i32
      %add3A_454 = arith.addi %add3A_453, %mul3A_452 : i32
      %get3A_455 = arith.index_cast %add3A_454 : i32 to index
      %get3A_456 = tpu.vector_load %arg7[%get3A_455] {strides = array<i32>} : memref<16384xi32, #tpu.memory_space<vmem>>, vector<16xi32>,
      %gather3A_457 = tpu.vector_load_idx %arg11[%get3A_456] : memref<100096xf32, #tpu.memory_space<vmem>>[vector<16xi32>], vector<16xf32>,
      %get3A_458 = arith.index_cast %mul3A_452 : i32 to index
      %get3A_459 = tpu.vector_load %arg10[%get3A_458] {strides = array<i32>} : memref<4096xf32, #tpu.memory_space<vmem>>, vector<16xf32>,
      %sub3A_460 = arith.subf %get3A_459, %gather3A_457 : vector<16xf32>
      %mul3A_461 = arith.mulf %sub3A_460, %sub3A_460 : vector<16xf32>
      %add3A_462 = arith.addf %add3A_448, %mul3A_461 : vector<16xf32>
      %scan3A_463 = arith.constant 4 : i32
      %scan3A_464 = arith.addi %scan3A_410, %scan3A_463 : i32
      %mul3A_465 = arith.constant 16 : i32
      %mul3A_466 = arith.muli %scan3A_464, %mul3A_465 : i32
      %add3A_467 = arith.constant 12288 : i32
      %add3A_468 = arith.addi %add3A_467, %mul3A_466 : i32
      %get3A_469 = arith.index_cast %add3A_468 : i32 to index
      %get3A_470 = tpu.vector_load %arg7[%get3A_469] {strides = array<i32>} : memref<16384xi32, #tpu.memory_space<vmem>>, vector<16xi32>,
      %gather3A_471 = tpu.vector_load_idx %arg11[%get3A_470] : memref<100096xf32, #tpu.memory_space<vmem>>[vector<16xi32>], vector<16xf32>,
      %get3A_472 = arith.index_cast %mul3A_466 : i32 to index
      %get3A_473 = tpu.vector_load %arg10[%get3A_472] {strides = array<i32>} : memref<4096xf32, #tpu.memory_space<vmem>>, vector<16xf32>,
      %sub3A_474 = arith.subf %get3A_473, %gather3A_471 : vector<16xf32>
      %mul3A_475 = arith.mulf %sub3A_474, %sub3A_474 : vector<16xf32>
      %add3A_476 = arith.addf %add3A_462, %mul3A_475 : vector<16xf32>
      %scan3A_477 = arith.constant 5 : i32
      %scan3A_478 = arith.addi %scan3A_410, %scan3A_477 : i32
      %mul3A_479 = arith.constant 16 : i32
      %mul3A_480 = arith.muli %scan3A_478, %mul3A_479 : i32
      %add3A_481 = arith.constant 12288 : i32
      %add3A_482 = arith.addi %add3A_481, %mul3A_480 : i32
      %get3A_483 = arith.index_cast %add3A_482 : i32 to index
      %get3A_484 = tpu.vector_load %arg7[%get3A_483] {strides = array<i32>} : memref<16384xi32, #tpu.memory_space<vmem>>, vector<16xi32>,
      %gather3A_485 = tpu.vector_load_idx %arg11[%get3A_484] : memref<100096xf32, #tpu.memory_space<vmem>>[vector<16xi32>], vector<16xf32>,
      %get3A_486 = arith.index_cast %mul3A_480 : i32 to index
      %get3A_487 = tpu.vector_load %arg10[%get3A_486] {strides = array<i32>} : memref<4096xf32, #tpu.memory_space<vmem>>, vector<16xf32>,
      %sub3A_488 = arith.subf %get3A_487, %gather3A_485 : vector<16xf32>
      %mul3A_489 = arith.mulf %sub3A_488, %sub3A_488 : vector<16xf32>
      %add3A_490 = arith.addf %add3A_476, %mul3A_489 : vector<16xf32>
      %scan3A_491 = arith.constant 6 : i32
      %scan3A_492 = arith.addi %scan3A_410, %scan3A_491 : i32
      %mul3A_493 = arith.constant 16 : i32
      %mul3A_494 = arith.muli %scan3A_492, %mul3A_493 : i32
      %add3A_495 = arith.constant 12288 : i32
      %add3A_496 = arith.addi %add3A_495, %mul3A_494 : i32
      %get3A_497 = arith.index_cast %add3A_496 : i32 to index
      %get3A_498 = tpu.vector_load %arg7[%get3A_497] {strides = array<i32>} : memref<16384xi32, #tpu.memory_space<vmem>>, vector<16xi32>,
      %gather3A_499 = tpu.vector_load_idx %arg11[%get3A_498] : memref<100096xf32, #tpu.memory_space<vmem>>[vector<16xi32>], vector<16xf32>,
      %get3A_500 = arith.index_cast %mul3A_494 : i32 to index
      %get3A_501 = tpu.vector_load %arg10[%get3A_500] {strides = array<i32>} : memref<4096xf32, #tpu.memory_space<vmem>>, vector<16xf32>,
      %sub3A_502 = arith.subf %get3A_501, %gather3A_499 : vector<16xf32>
      %mul3A_503 = arith.mulf %sub3A_502, %sub3A_502 : vector<16xf32>
      %add3A_504 = arith.addf %add3A_490, %mul3A_503 : vector<16xf32>
      %scan3A_505 = arith.constant 7 : i32
      %scan3A_506 = arith.addi %scan3A_410, %scan3A_505 : i32
      %mul3A_507 = arith.constant 16 : i32
      %mul3A_508 = arith.muli %scan3A_506, %mul3A_507 : i32
      %add3A_509 = arith.constant 12288 : i32
      %add3A_510 = arith.addi %add3A_509, %mul3A_508 : i32
      %get3A_511 = arith.index_cast %add3A_510 : i32 to index
      %get3A_512 = tpu.vector_load %arg7[%get3A_511] {strides = array<i32>} : memref<16384xi32, #tpu.memory_space<vmem>>, vector<16xi32>,
      %gather3A_513 = tpu.vector_load_idx %arg11[%get3A_512] : memref<100096xf32, #tpu.memory_space<vmem>>[vector<16xi32>], vector<16xf32>,
      %get3A_514 = arith.index_cast %mul3A_508 : i32 to index
      %get3A_515 = tpu.vector_load %arg10[%get3A_514] {strides = array<i32>} : memref<4096xf32, #tpu.memory_space<vmem>>, vector<16xf32>,
      %sub3A_516 = arith.subf %get3A_515, %gather3A_513 : vector<16xf32>
      %mul3A_517 = arith.mulf %sub3A_516, %sub3A_516 : vector<16xf32>
      %add3A_518 = arith.addf %add3A_504, %mul3A_517 : vector<16xf32>
      scf.yield %add3A_518 : vector<16xf32>
    }
    %scan3A_390 = arith.constant 256 : i32
    %broadcast_in_dim3A_391 = arith.constant 0.000000e+00 : f32
    %broadcast_in_dim3A_392 = vector.broadcast %broadcast_in_dim3A_391 : f32 to vector<16xf32>
    %swap3A = arith.constant 0 : index
    %swap3A_393 = tpu.vector_load %arg12[%swap3A] {strides = array<i32>} : memref<128xf32, #tpu.memory_space<vmem>>, vector<16xf32>,
    tpu.vector_store %arg12[%swap3A], %broadcast_in_dim3A_392 {strides = array<i32>} : memref<128xf32, #tpu.memory_space<vmem>>, vector<16xf32>,
    %swap3A_394 = arith.constant 16 : index
    %swap3A_395 = tpu.vector_load %arg12[%swap3A_394] {strides = array<i32>} : memref<128xf32, #tpu.memory_space<vmem>>, vector<16xf32>,
    tpu.vector_store %arg12[%swap3A_394], %broadcast_in_dim3A_392 {strides = array<i32>} : memref<128xf32, #tpu.memory_space<vmem>>, vector<16xf32>,
    %swap3A_396 = arith.constant 32 : index
    %swap3A_397 = tpu.vector_load %arg12[%swap3A_396] {strides = array<i32>} : memref<128xf32, #tpu.memory_space<vmem>>, vector<16xf32>,
    tpu.vector_store %arg12[%swap3A_396], %broadcast_in_dim3A_392 {strides = array<i32>} : memref<128xf32, #tpu.memory_space<vmem>>, vector<16xf32>,
    %swap3A_398 = arith.constant 48 : index
    %swap3A_399 = tpu.vector_load %arg12[%swap3A_398] {strides = array<i32>} : memref<128xf32, #tpu.memory_space<vmem>>, vector<16xf32>,
    tpu.vector_store %arg12[%swap3A_398], %broadcast_in_dim3A_392 {strides = array<i32>} : memref<128xf32, #tpu.memory_space<vmem>>, vector<16xf32>,
    %swap3A_400 = arith.constant 64 : index
    %swap3A_401 = tpu.vector_load %arg12[%swap3A_400] {strides = array<i32>} : memref<128xf32, #tpu.memory_space<vmem>>, vector<16xf32>,
    tpu.vector_store %arg12[%swap3A_400], %broadcast_in_dim3A_392 {strides = array<i32>} : memref<128xf32, #tpu.memory_space<vmem>>, vector<16xf32>,
    %swap3A_402 = arith.constant 80 : index
    %swap3A_403 = tpu.vector_load %arg12[%swap3A_402] {strides = array<i32>} : memref<128xf32, #tpu.memory_space<vmem>>, vector<16xf32>,
    tpu.vector_store %arg12[%swap3A_402], %broadcast_in_dim3A_392 {strides = array<i32>} : memref<128xf32, #tpu.memory_space<vmem>>, vector<16xf32>,
    %swap3A_404 = arith.constant 96 : index
    %swap3A_405 = tpu.vector_load %arg12[%swap3A_404] {strides = array<i32>} : memref<128xf32, #tpu.memory_space<vmem>>, vector<16xf32>,
    tpu.vector_store %arg12[%swap3A_404], %broadcast_in_dim3A_392 {strides = array<i32>} : memref<128xf32, #tpu.memory_space<vmem>>, vector<16xf32>,
    %swap3A_406 = arith.constant 112 : index
    %swap3A_407 = tpu.vector_load %arg12[%swap3A_406] {strides = array<i32>} : memref<128xf32, #tpu.memory_space<vmem>>, vector<16xf32>,
    tpu.vector_store %arg12[%swap3A_406], %broadcast_in_dim3A_392 {strides = array<i32>} : memref<128xf32, #tpu.memory_space<vmem>>, vector<16xf32>,
    %swap3A_408 = arith.constant 0 : index
    %swap3A_409 = tpu.vector_load %arg12[%swap3A_408] {strides = array<i32>} : memref<128xf32, #tpu.memory_space<vmem>>, vector<16xf32>,
    tpu.vector_store %arg12[%swap3A_408], %scan3A_389 {strides = array<i32>} : memref<128xf32, #tpu.memory_space<vmem>>, vector<16xf32>,
    "tpu.region"() ({
      %run_scoped3A = tpu.sem_alloc : memref<!tpu.dma_semaphore, #tpu.memory_space<semaphore_mem>>
      %dma_start3A_410 = arith.constant 0 : i32
      %dma_start3A_411 = tpu.memref_slice %arg6[%add3A, %dma_start3A_410] : memref<32x128xf32, #tpu.memory_space<hbm>> -> memref<1x128xf32, #tpu.memory_space<hbm>>
      %dma_start3A_412 = tpu.memref_squeeze %dma_start3A_411 : memref<1x128xf32, #tpu.memory_space<hbm>> -> memref<128xf32, #tpu.memory_space<hbm>>
      %dma_start3A_413 = arith.constant 0 : i32
      %dma_start3A_414 = tpu.memref_slice %arg6[%add3A, %dma_start3A_413] : memref<32x128xf32, #tpu.memory_space<hbm>> -> memref<1x128xf32, #tpu.memory_space<hbm>>
      %dma_start3A_415 = tpu.memref_squeeze %dma_start3A_414 : memref<1x128xf32, #tpu.memory_space<hbm>> -> memref<128xf32, #tpu.memory_space<hbm>>
      tpu.enqueue_dma source(%arg12 : memref<128xf32, #tpu.memory_space<vmem>>) target(%dma_start3A_415 : memref<128xf32, #tpu.memory_space<hbm>>) target_semaphore(%run_scoped3A : memref<!tpu.dma_semaphore, #tpu.memory_space<semaphore_mem>>)
      %dma_wait3A_416 = arith.constant 0 : i32
      %dma_wait3A_417 = tpu.memref_slice %arg6[%add3A, %dma_wait3A_416] : memref<32x128xf32, #tpu.memory_space<hbm>> -> memref<1x128xf32, #tpu.memory_space<hbm>>
      %dma_wait3A_418 = tpu.memref_squeeze %dma_wait3A_417 : memref<1x128xf32, #tpu.memory_space<hbm>> -> memref<128xf32, #tpu.memory_space<hbm>>
      %dma_wait3A_419 = arith.constant 0 : i32
      %dma_wait3A_420 = tpu.memref_slice %arg6[%add3A, %dma_wait3A_419] : memref<32x128xf32, #tpu.memory_space<hbm>> -> memref<1x128xf32, #tpu.memory_space<hbm>>
      %dma_wait3A_421 = tpu.memref_squeeze %dma_wait3A_420 : memref<1x128xf32, #tpu.memory_space<hbm>> -> memref<128xf32, #tpu.memory_space<hbm>>
      tpu.wait_dma2 semaphore(%run_scoped3A : memref<!tpu.dma_semaphore, #tpu.memory_space<semaphore_mem>>) src(%arg12 : memref<128xf32, #tpu.memory_space<vmem>>) dst(%dma_wait3A_421 : memref<128xf32, #tpu.memory_space<hbm>>)
      tpu.yield
    }) : () -> ()
    return
  }
}

module attributes {stable_mosaic.version = 14 : i64} {
  func.func @rk(%arg0: memref<32x128xf32, #tpu.memory_space<vmem>>, %arg1: memref<1x1xf32, #tpu.memory_space<smem>>) attributes {dimension_semantics = [], scalar_prefetch = 0 : i64, scratch_operands = 0 : i64, tpu.core_type = #tpu.core_type<tc>} {
    %get3A = arith.constant 0 : index
    %get3A_0 = arith.constant 0 : index
    %get3A_1 = vector.load %arg0[%get3A, %get3A_0] : memref<32x128xf32, #tpu.memory_space<vmem>>, vector<32x128xf32>
    %reduce_sum3A = vector.shape_cast %get3A_1 : vector<32x128xf32> to vector<1x32x128xf32>
    %reduce_sum3A_2 = arith.constant dense<0.000000e+00> : vector<1xf32>
    %reduce_sum3A_3 = vector.multi_reduction <add>, %reduce_sum3A, %reduce_sum3A_2 [1, 2] : vector<1x32x128xf32> to vector<1xf32>
    %reduce_sum3A_4 = vector.shape_cast %reduce_sum3A_3 : vector<1xf32> to vector<1x1x1xf32>
    %reduce_sum3A_5 = vector.extract %reduce_sum3A_4[0, 0, 0] : f32 from vector<1x1x1xf32>
    %mul3A = arith.constant 3.05175781E-5 : f32
    %mul3A_6 = arith.mulf %reduce_sum3A_5, %mul3A : f32
    %swap3A = arith.constant 0 : index
    %swap3A_7 = arith.constant 0 : index
    %swap3A_8 = memref.load %arg1[%swap3A, %swap3A_7] : memref<1x1xf32, #tpu.memory_space<smem>>
    memref.store %mul3A_6, %arg1[%swap3A, %swap3A_7] : memref<1x1xf32, #tpu.memory_space<smem>>
    return
  }
}

</mosaic_0001>

<sc_bundles>
// kernel: kernel.4.cloned.1.call-start
scs
__scs_entry_jumppad:
0x0: {  	(pc) =	sbr.rel $0x88, $3  }
0x1: {  	(tag) =	ssettag $0x0;
	lr =	simm.s32 $0x1  }
0x2: {  	[smem:$0x3F9E] =	sst lr;
	_ =	strace $0xD0000000  }
0x3: {  	_ = 	snop  }
0x4: {  	_ = 	snop  }
0x5: {  	_ = 	snop  }
0x6: {  	_ = 	snop  }
0x7: {  	_ = 	snop  }
__scs_overlays_trampoline_lowered:
0x8: {  	[smem:$0x3FAD] =	sst s0  }
0x9: {  	[smem:$0x3FAE] =	sst s1  }
0xa: {  	[smem:$0x3FAF] =	sst s2  }
0xb: {  	[smem:$0x3FB0] =	sst s3  }
0xc: {  	[smem:$0x3FB1] =	sst s4  }
0xd: {  	[smem:$0x3FB2] =	sst s5  }
0xe: {  	[smem:$0x3FB3] =	sst s6  }
0xf: {  	[smem:$0x3FB4] =	sst s7  }
0x10: {  	[smem:$0x3FB5] =	sst s8  }
0x11: {  	[smem:$0x3FB6] =	sst s9;
	s0 =	simm.s32 @!p0 $0x0  }
0x12: {  	s1 =	sld [smem:$0x3F9C];
	s0 =	simm.s32 @p0 $0x1  }
0x13: {  	[smem:$0x3FB7] =	sst s0;
	s0 =	simm.s32 @!p1 $0x0  }
0x14: {  	s2 =	sld [smem:$0x3F9B];
	s0 =	simm.s32 @p1 $0x1  }
0x15: {  	[smem:$0x3FB8] =	sst s0;
	s0 =	simm.s32 @!p2 $0x0  }
0x16: {  	s3 =	sld [smem:$0x3FDB];
	s0 =	simm.s32 @p2 $0x1  }
0x17: {  	s4 =	simm.s32 $0x1BF5;
	[smem:$0x3FBA] =	sst s0  }
0x18: {  	s0 =	sld [smem:$0x3F9D];
	_ =	swait.ge [sflag:s4], $0x0  }
0x19: {  	s7 =	sld [smem:$0x3F9E]  }
0x1a: {  	s8 =	sadd.s32 $0xFFFFE003, lr  }
0x1b: {  	s9 =	sadd.s32 $0xFFFFFEF7, lr;
	s5 =	simm.s32 $0xFFFFFFFF;
	p2 =	slt.u32 s8, $0xFFFFF086  }
0x1c: {  	p1 =	slt.u32 s9, $0xF7A;
	s5 =	simm.s32 @!p2 $0x0  }
0x1d: {  	s5 =	simm.s32 @p1 $0x1;
	p0 =	seq.s32 s7, s2  }
0x1e: {  	s7 =	smul.u32 @!p0 $0xF7A, s2;
	p2 =	seq.s32 @!p0 s5, $0x0  }
0x1f: {  	s9 =	smul.u32 $0xF7A, s1;
	s8 =	simm.s32 @!p0 $0x1BF5;
	p2 =	por !p2, p0  }
0x20: {  	[sflag:s8] =	ssyncset.s32 @!p0 $0xFFFFF086;
	s6 =	sadd.s32 @!p0 s3, s7;
	s7 =	simm.s32 @!p0 $0x108  }
0x21: {  	s3 =	sadd.s32 s3, s9;
	s6 =	sadd.s32 @!p0 $0x88, s6;
	s7 =	simm.s32 @p2 $0x1082  }
0x22: {  	[simem:s7], [sflag:s8] =	dma.local @!p0 [hbm:s6], $0xF7A  }
0x23: {  	s9 =	sor.u32 $0xD0000000, s2;
	s6 =	simm.s32 $0x108;
	_ =	swait.ge @!p0 [sflag:s8], $0x0  }
0x24: {  	s3 =	sadd.s32 $0x88, s3;
	s6 =	simm.s32 @!p1 $0x1082;
	[sflag:s4] =	ssyncset.s32 $0xFFFFF086  }
0x25: {  	[simem:s6], [sflag:s4] =	dma.local [hbm:s3], $0xF7A  }
0x26: {  	[smem:$0x3F9E] =	sst s1;
	(tag) =	ssettag s2;
	_ =	strace s9  }
0x27: {  	s1 =	sld [smem:$0x3FAE]  }
0x28: {  	s2 =	sld [smem:$0x3FAF]  }
0x29: {  	s4 =	sld [smem:$0x3FB1]  }
0x2a: {  	p0 =	seq.s32 s5, $0x0;
	s5 =	sld [smem:$0x3FB2]  }
0x2b: {  	s6 =	sld [smem:$0x3FB3]  }
0x2c: {  	s7 =	sld [smem:$0x3FB4]  }
0x2d: {  	s3 =	simm.s32 $0x108;
	s8 =	sld [smem:$0x3FB5]  }
0x2e: {  	s3 =	simm.s32 @!p0 $0x1082;
	s9 =	sld [smem:$0x3FB6]  }
0x2f: {  	lr =	sadd.s32 s0, s3;
	s0 =	sld [smem:$0x3FAD]  }
0x30: {  	s3 =	sld [smem:$0x3FB0]  }
0x31: {  	[smem:$0x3FB9] =	sst s10  }
0x32: {  	s10 =	sld [smem:$0x3FB7];
	_ =	sdelay $0x3  }
0x33: {  	p0 =	seq.s32 s10, $0x1;
	s10 =	sld [smem:$0x3FB9];
	_ =	sdelay $0x3  }
0x34: {  	[smem:$0x3FB9] =	sst s10  }
0x35: {  	s10 =	sld [smem:$0x3FB8];
	_ =	sdelay $0x3  }
0x36: {  	p1 =	seq.s32 s10, $0x1;
	s10 =	sld [smem:$0x3FB9];
	_ =	sdelay $0x3  }
0x37: {  	[smem:$0x3FB9] =	sst s10  }
0x38: {  	s10 =	sld [smem:$0x3FBA]  }
0x39: {  	_ = 	snop;
	(pc) =	sbr.ind lr, $3  }
0x3a: {  	_ = 	snop  }
0x3b: {  	_ = 	snop  }
0x3c: {  	p2 =	seq.s32 s10, $0x1;
	s10 =	sld [smem:$0x3FB9]  }
0x3d: {  	_ =	shalt  }
0x3e: {  	_ =	shalt  }
0x3f: {  	_ =	shalt  }
0x40: {  	_ =	shalt  }
0x41: {  	_ =	shalt  }
0x42: {  	_ =	shalt  }
0x43: {  	_ =	shalt  }
0x44: {  	_ =	shalt  }
0x45: {  	_ =	shalt  }
0x46: {  	_ =	shalt  }
0x47: {  	_ =	shalt  }
0x48: {  	_ =	shalt  }
0x49: {  	_ =	shalt  }
0x4a: {  	_ =	shalt  }
0x4b: {  	_ =	shalt  }
0x4c: {  	_ =	shalt  }
0x4d: {  	_ =	shalt  }
0x4e: {  	_ =	shalt  }
0x4f: {  	_ =	shalt  }
0x50: {  	_ =	shalt  }
0x51: {  	_ =	shalt  }
0x52: {  	_ =	shalt  }
0x53: {  	_ =	shalt  }
0x54: {  	_ =	shalt  }
0x55: {  	_ =	shalt  }
0x56: {  	_ =	shalt  }
0x57: {  	_ =	shalt  }
0x58: {  	_ =	shalt  }
0x59: {  	_ =	shalt  }
0x5a: {  	_ =	shalt  }
0x5b: {  	_ =	shalt  }
0x5c: {  	_ =	shalt  }
0x5d: {  	_ =	shalt  }
0x5e: {  	_ =	shalt  }
0x5f: {  	_ =	shalt  }
0x60: {  	_ =	shalt  }
0x61: {  	_ =	shalt  }
0x62: {  	_ =	shalt  }
0x63: {  	_ =	shalt  }
0x64: {  	_ =	shalt  }
0x65: {  	_ =	shalt  }
0x66: {  	_ =	shalt  }
0x67: {  	_ =	shalt  }
0x68: {  	_ =	shalt  }
0x69: {  	_ =	shalt  }
0x6a: {  	_ =	shalt  }
0x6b: {  	_ =	shalt  }
0x6c: {  	_ =	shalt  }
0x6d: {  	_ =	shalt  }
0x6e: {  	_ =	shalt  }
0x6f: {  	_ =	shalt  }
0x70: {  	_ =	shalt  }
0x71: {  	_ =	shalt  }
0x72: {  	_ =	shalt  }
0x73: {  	_ =	shalt  }
0x74: {  	_ =	shalt  }
0x75: {  	_ =	shalt  }
0x76: {  	_ =	shalt  }
0x77: {  	_ =	shalt  }
0x78: {  	_ =	shalt  }
0x79: {  	_ =	shalt  }
0x7a: {  	_ =	shalt  }
0x7b: {  	_ =	shalt  }
0x7c: {  	_ =	shalt  }
0x7d: {  	_ =	shalt  }
0x7e: {  	_ =	shalt  }
0x7f: {  	_ =	shalt  }
0x80: {  	_ =	shalt  }
0x81: {  	_ =	shalt  }
0x82: {  	_ =	shalt  }
0x83: {  	_ =	shalt  }
0x84: {  	_ =	shalt  }
0x85: {  	_ =	shalt  }
0x86: {  	_ =	shalt  }
0x87: {  	_ =	shalt  }
.Lfunc_end0:
.L_simem_size_0:
called_computation_lowered:
.L_overlay_start_0:
0x88: {  	s2 =	sld [smem:$0x3FD9]  }
0x89: {  	s3 =	sld [smem:$0x3FFE];
	_ =	sdelay $0x1  }
0x8a: {  	s1 =	srdreg.scid  }
0x8b: {  	s0 =	sand.u32 $0x1, s1  }
0x8c: {  	s17 =	sshll.u32 s0, $0xA;
	s2 =	sadd.s32 s3, s2  }
0x8d: {  	s2 =	sadd.s32 s2, s17  }
0x8e: {  	[smem:$0x3FC5] =	sst s2  }
0x8f: {  	_ = 	snop  }
0x90: {  	s2 =	sld [smem:$0x3FC9]  }
0x91: {  	s18 =	sld [smem:$0x3FC8]  }
0x92: {  	s4 =	sld [smem:$0x3FC7];
	(tm) =	ssettm $0x1  }
0x93: {  	s5 =	sld [smem:$0x3FFB];
	_ =	sdelay $0x3  }
0x94: {  	_ =	strace s5  }
0x95: {  	s5 =	sld [smem:$0x3FFC];
	_ =	sdelay $0x3  }
0x96: {  	_ =	strace s5  }
0x97: {  	s5 =	sld [smem:$0x3FFD];
	_ =	sdelay $0x3  }
0x98: {  	_ =	strace s5  }
0x99: {  	_ =	strace $0x8FFFFFFF  }
0x9a: {  	s19 =	sld [smem:$0x3FDB];
	_ =	sdelay $0x1  }
0x9b: {  	s6 =	simm.s32 $_scs_section_size  }
0x9c: {  	s7 =	simm.s32 $_size__tile_overlayer_lowered;
	s8 =	simm.s32 $_tile_overlayer_lowered  }
0x9d: {  	s22 =	simm.s32 $0x1BFF;
	s21 =	sshll.u32 s8, $0x1;
	s5 =	sadd.s32 s6, s19  }
0x9e: {  	s9 =	simm.s32 $0x0;
	s20 =	sshll.u32 s7, $0x1;
	s7 =	sadd.s32 s21, s5  }
0x9f: {  	[timem:s9], [sflag:s22] =	dma.local [hbm:s7], s20  }
0xa0: {  	_ =	swait.ge [sflag:s22], s20  }
0xa1: {  	s6 =	ssub.s32 $0x0, s20;
	[sflag:s22] =	ssyncset.done $0x0  }
0xa2: {  	[sflag:s22] =	ssyncadd.s32 s6;
	_ =	sdelay $0x1  }
0xa3: {  	s23 =	simm.s32 $0x1B8B  }
0xa4: {  	_ =	swait.ge [sflag:s23], $0x1  }
0xa5: {  	[sflag:s23] =	ssyncset.done $0x0  }
0xa6: {  	s25 =	simm.s32 $0x1B8E;
	s24 =	sld [smem:$0x3FFE];
	[sflag:s23] =	ssyncadd.s32 $0xFFFFFFFF  }
0xa7: {  	s26 =	simm.s32 $execute0_lowered;
	[smem:$0x3FD2] =	sst s25  }
0xa8: {  	s7 =	sshll.u32 s26, $0x1;
	_ =	strace $0x80000046;
	[dreg:$0x1] =	wrdreg $0xFFFFFFFF  }
0xa9: {  	s28 =	simm.s32 $_size_execute0_lowered;
	s5 =	sadd.s32 s5, s7;
	[dreg:$0x0] =	wrdreg $0x0  }
0xaa: {  	s7 =	sshll.u32 s28, $0x1;
	[dreg:$0x2] =	wrdreg s5  }
0xab: {  	[dreg:$0x3] =	wrdreg s7  }
0xac: {  	[dreg:$0x4] =	wrdreg $0xC0  }
0xad: {  	_ =	task [dreg:s9], $0x5FFFF  }
0xae: {  	[dreg:$0x1] =	wrdreg $0xFFFFFFFF  }
0xaf: {  	[dreg:$0x0] =	wrdreg $0x60  }
0xb0: {  	[dreg:$0x2] =	wrdreg s2  }
0xb1: {  	[dreg:$0x3] =	wrdreg s18  }
0xb2: {  	[dreg:$0x4] =	wrdreg s4  }
0xb3: {  	[dreg:$0x5] =	wrdreg s24  }
0xb4: {  	[dreg:$0x6] =	wrdreg $0x40000  }
0xb5: {  	[dreg:$0x7] =	wrdreg $0x9  }
0xb6: {  	_ =	task.clear_ibuf [dreg:s9], $0x8FFFF;
	_ =	strace $0x90000046  }
0xb7: {  	s29 =	simm.s32 $0x9;
	_ =	strace $0x80000048  }
0xb8: {  	_ =	swait.ge [sflag:s29], $0x1  }
0xb9: {  	[sflag:s29] =	ssyncadd.s32 $0xFFFFFFFF  }
0xba: {  	_ =	strace $0x90000048  }
0xbb: {  	_ =	sfence  }
0xbc: {  	s30 =	sld [smem:$0x0];
	_ =	sdelay $0x2  }
0xbd: {  	s31 =	sshll.u32 s1, $0xD;
	s1 =	sshrl.u32 s1, $0x2  }
0xbe: {  	s3 =	sand.u32 $0x4000, s31;
	s1 =	sadd.s32 s1, s30  }
0xbf: {  	s0 =	sor.u32 s3, s0;
	s1 =	sshll.u32 s1, $0x11  }
0xc0: {  	s0 =	sor.u32 s1, s0  }
0xc1: {  	s0 =	sadd.s32 $0x8F2B, s0  }
0xc2: {  	[sflag:s0] =	ssyncadd.remote.s32 $0x1  }
0xc3: {  	_ =	sfence.sel $0xFFFF  }
0xc4: {  	[dreg:$0x0] =	wrdreg $0xFFFFFFFF;
	(pc) =	sbr.abs _section_cstart, $3  }
0xc5: {  	[dreg:$0x1] =	wrdreg $0xFFFFFFFF  }
0xc6: {  	_ =	task.clear_ibuf [dreg:s9], $0x2FFFF;
	_ =	strace $0x9FFFFFFF  }
0xc7: {  	(tm) =	ssettm $0x7FFFFFFF  }
tec
execute0_lowered:
.L_overlay_start_1:
0x0: {  	(tag) =	ssettag $0x1  }
0x1: {  	s4 =	rddreg [dreg:$0x0]  }
0x2: {  	s0 =	rddreg [dreg:$0x1]  }
0x3: {  	s1 =	rddreg [dreg:$0x2]  }
0x4: {  	s2 =	rddreg [dreg:$0x3]  }
0x5: {  	s24 =	rddreg [dreg:$0x4]  }
0x6: {  	s5 =	srdreg.scid;
	s23 =	stileid.u32  }
0x7: {  	s3 =	simm.s32 $0x0;
	s28 =	simm.s32 $0x80;
	s29 =	simm.s32 $0x400  }
0x8: {  	s30 =	simm.s32 $0x6400;
	s31 =	simm.s32 $0xC600;
	s5 =	sand.u32 $0x1, s5  }
0x9: {  	s6 =	sshll.u32 s23, $0x1;
	[smem:$0x7FF] =	sst s3;
	s7 =	sadd.s32 $0x600, s2  }
0xa: {  	s21 =	sshrl.u32 s23, $0x1;
	s22 =	sshll.u32 s23, $0x7;
	s6 =	sor.u32 s5, s6  }
0xb: {  	_ =	strace $0x80000047;
	s5 =	ssub.s32 $0x2, s5;
	s10 =	smul.u32 $0xC3800, s21  }
0xc: {  	s4 =	sadd.s32 s4, s22;
	s8 =	sshll.u32 s6, $0x4;
	s9 =	sshrl.u32 s5, $0x1  }
0xd: {  	s6 =	sshll.u32 s6, $0x8;
	[dreg:$0x6] =	wrdreg s4;
	s2 =	sadd.s32 s8, s2  }
0xe: {  	s5 =	ssub.s32 s5, s9;
	s6 =	sand.u32 $0x300, s6;
	s26 =	sadd.s32 $0x31000, s10  }
0xf: {  	s12 =	sadd.s32 $0x62000, s10;
	s16 =	sadd.s32 $0x93000, s10;
	s8 =	sshll.u32 s21, $0x11  }
0x10: {  	s25 =	sor.u32 s10, s6;
	s11 =	sor.u32 s26, s6;
	s14 =	sor.u32 s12, s6  }
0x11: {  	s17 =	sor.u32 s16, s6;
	s19 =	sor.u32 s8, s6;
	s4 =	sshrl.u32 s25, $0x3  }
0x12: {  	s13 =	sshrl.u32 s11, $0x3;
	s15 =	sshrl.u32 s14, $0x3;
	s4 =	sadd.s32 s1, s4  }
0x13: {  	s20 =	sshrl.u32 s19, $0x3;
	[dreg:$0x7] =	wrdreg s4;
	s4 =	sadd.s32 s1, s13  }
0x14: {  	s13 =	sshll.u32 s21, $0xA;
	s21 =	sadd.s32 $0x1000, s0;
	[dreg:$0x8] =	wrdreg s4  }
0x15: {  	s4 =	sadd.s32 s1, s15;
	s14 =	sor.u32 s13, s6;
	s15 =	sadd.s32 s0, s20  }
0x16: {  	s25 =	sadd.s32 s20, s21;
	s6 =	sor.u32 $0x80, s6;
	[dreg:$0x9] =	wrdreg s4  }
0x17: {  	s4 =	sshrl.u32 s17, $0x3;
	s18 =	sshrl.u32 s14, $0x3;
	[dreg:$0xc] =	wrdreg s15  }
0x18: {  	[dreg:$0xd] =	wrdreg s25;
	s8 =	sor.u32 s8, s6;
	s10 =	sor.u32 s10, s6  }
0x19: {  	s9 =	sor.u32 s26, s6;
	s12 =	sor.u32 s12, s6;
	s11 =	sor.u32 s16, s6  }
0x1a: {  	s6 =	sor.u32 s13, s6;
	s26 =	sadd.s32 $0x2000, s0;
	s25 =	sshll.u32 s23, $0xA  }
0x1b: {  	s4 =	sadd.s32 s1, s4;
	s10 =	sshrl.u32 s10, $0x3;
	s9 =	sshrl.u32 s9, $0x3  }
0x1c: {  	s11 =	sshrl.u32 s11, $0x3;
	s6 =	sshrl.u32 s6, $0x3;
	s17 =	sadd.s32 s20, s26  }
0x1d: {  	s22 =	sshrl.u32 s8, $0x3;
	s8 =	simm.s32 $0x2;
	[dreg:$0xa] =	wrdreg s4  }
0x1e: {  	s4 =	sadd.s32 s7, s18;
	s10 =	sadd.s32 s1, s10;
	s9 =	sadd.s32 s1, s9  }
0x1f: {  	s15 =	sadd.s32 s1, s11;
	s16 =	sadd.s32 s7, s6;
	[dreg:$0xb] =	wrdreg s4  }
0x20: {  	s19 =	sadd.s32 s0, s22;
	s6 =	simm.s32 $0x5;
	[dreg:$0xe] =	wrdreg s10  }
0x21: {  	s7 =	simm.s32 $0x4;
	s11 =	simm.s32 $0x0;
	[dreg:$0xf] =	wrdreg s9  }
0x22: {  	s10 =	sshrl.u32 s12, $0x3;
	s12 =	sadd.s32 $0x3000, s0;
	s0 =	sadd.s32 s25, s24  }
0x23: {  	s24 =	sadd.s32 $0xA00, s2;
	s25 =	smax.u32 s5, $0x1;
	s2 =	simm.s32 $0x1EA80  }
0x24: {  	s4 =	simm.s32 $0x4400;
	s5 =	simm.s32 $0x1;
	s9 =	sadd.s32 s1, s10  }
0x25: {  	s18 =	sadd.s32 s20, s12;
	s20 =	sadd.s32 s22, s21;
	s21 =	sadd.s32 s22, s26  }
0x26: {  	s22 =	sadd.s32 s22, s12;
	s26 =	sshll.u32 s23, $0x6;
	s1 =	simm.s32 $0x18A00  }
0x27: {  	s10 =	simm.s32 $0x3;
	[dreg:$0x10] =	wrdreg s9;
	s23 =	sor.u32 $0x1C01, s26  }
0x28: {  	v0 =	vimm.f32 $0.0e+00;
	s26 =	sshrl.u32 s0, $0x3;
	s0 =	simm.s32 $0x12800;
	s9 =	simm.s32 $0x5400  }
.LBB2_1:
0x29: {  	s12 =	rddreg [dreg:$0x6]  }
0x2a: {  	[spmem:s26], [sflag:s23] =	dma.local [hbm:s12], $0x80  }
0x2b: {  	s12 =	rddreg [dreg:$0x7]  }
0x2c: {  	[tilespmem:s30], [sflag:$0x4] =	stream.strided.gather [hbm4b:s12+s28], $0x6200, s29, s28, $0x38;
	[tilespmem:$0x1EB80] =	vst v63  }
0x2d: {  	s13 =	rddreg [dreg:$0x8]  }
0x2e: {  	[tilespmem:s31], [sflag:$0x4] =	stream.strided.gather [hbm4b:s13+s28], $0x6200, s29, s28, $0x38;
	[tilespmem:$0x1EB80] =	vst v63  }
0x2f: {  	s14 =	rddreg [dreg:$0x9]  }
0x30: {  	[tilespmem:s0], [sflag:$0x4] =	stream.strided.gather [hbm4b:s14+s28], $0x6200, s29, s28, $0x38;
	[tilespmem:$0x1EB80] =	vst v63  }
0x31: {  	s13 =	rddreg [dreg:$0xa]  }
0x32: {  	[tilespmem:s1], [sflag:$0x4] =	stream.strided.gather [hbm4b:s13+s28], $0x6080, s29, s28, $0x38;
	[tilespmem:$0x1EB80] =	vst v63  }
0x33: {  	s14 =	rddreg [dreg:$0xb]  }
0x34: {  	[tilespmem:s2], [sflag:$0x4] =	stream.linear.gather [hbm4b:s14+s3], $0x80, $0x38;
	[tilespmem:$0x1EB80] =	vst v63  }
0x35: {  	s13 =	rddreg [dreg:$0xc]  }
0x36: {  	[tilespmem:s4], [sflag:$0x2] =	stream.strided.gather [hbm4b:s13+s28], $0x1000, s29, s28, $0x38;
	[tilespmem:$0x1EB80] =	vst v63  }
0x37: {  	_ =	swait.ge [sflag:s5], $0x80  }
0x38: {  	[sflag:s5] =	ssyncset.done $0x0  }
0x39: {  	[sflag:s5] =	ssyncadd.s32 $0xFFFFFF80  }
0x3a: {  	[bflag:$0x0] =	sbarrier.arrive $0xFFFF  }
0x3b: {  	s14 =	rddreg [dreg:$0x4]  }
0x3c: {  	[tilespmem:s3], [sflag:$0x5] =	stream.linear.gather [spmem:s14], $0x4000, $0x38;
	[tilespmem:$0x1EB80] =	vst v63  }
0x3d: {  	_ =	swait.ge [sflag:s6], $0x4000  }
0x3e: {  	[sflag:s6] =	ssyncset.done $0x0  }
0x3f: {  	[sflag:s6] =	ssyncadd.s32 $0xFFFFC000  }
0x40: {  	_ =	swait.ge [sflag:s7], $0x6200  }
0x41: {  	[sflag:s7] =	ssyncset.done $0x0  }
0x42: {  	[sflag:s7] =	ssyncadd.s32 $0xFFFF9E00  }
0x43: {  	_ =	swait.ge [sflag:s7], $0x6200  }
0x44: {  	[sflag:s7] =	ssyncset.done $0x0  }
0x45: {  	[sflag:s7] =	ssyncadd.s32 $0xFFFF9E00  }
0x46: {  	_ =	swait.ge [sflag:s7], $0x6200  }
0x47: {  	[sflag:s7] =	ssyncset.done $0x0  }
0x48: {  	[sflag:s7] =	ssyncadd.s32 $0xFFFF9E00  }
0x49: {  	_ =	swait.ge [sflag:s7], $0x6080  }
0x4a: {  	[sflag:s7] =	ssyncset.done $0x0  }
0x4b: {  	[sflag:s7] =	ssyncadd.s32 $0xFFFF9F80  }
0x4c: {  	_ =	swait.ge [sflag:s7], $0x80  }
0x4d: {  	[sflag:s7] =	ssyncset.done $0x0  }
0x4e: {  	[sflag:s7] =	ssyncadd.s32 $0xFFFFFF80  }
0x4f: {  	_ =	swait.ge [sflag:s8], $0x1000  }
0x50: {  	[sflag:s8] =	ssyncset.done $0x0  }
0x51: {  	s14 =	simm.s32 $0x40;
	s13 =	rddreg [dreg:$0xd];
	[sflag:s8] =	ssyncadd.s32 $0xFFFFF000  }
0x52: {  	[tilespmem:s9], [sflag:$0x3] =	stream.strided.gather [hbm4b:s13+s28], $0x1000, s29, s28, $0x38;
	[tilespmem:$0x1EB80] =	vst v63  }
0x53: {  	v1 =	vld [tilespmem:s14+$0xFFFFFFC0]  }
0x54: {  	v2 =	vld [tilespmem:s14+$0x30]  }
0x55: {  	v3 =	vld [tilespmem:s14+$0xFFFFFFD0]  }
0x56: {  	v4 =	vld [tilespmem:s14+$0x20]  }
0x57: {  	v5 =	vld [tilespmem:s14+$0xFFFFFFE0]  }
0x58: {  	v6 =	vld [tilespmem:s14+$0x10]  }
0x59: {  	v7 =	vld [tilespmem:s14+$0xFFFFFFF0]  }
0x5a: {  	s12 =	simm.s32 $0x4440;
	v8 =	vld [tilespmem:s14+$0x0]  }
0x5b: {  	v9 =	vld [tilespmem:s12+$0xFFFFFFC0]  }
0x5c: {  	v1 =	vld.idx.msk [tilespmem:v1+s30+$0x0], $0xffff  }
0x5d: {  	v10 =	vld [tilespmem:s12+$0xFFFFFFD0]  }
0x5e: {  	v3 =	vld.idx.msk [tilespmem:v3+s30+$0x0], $0xffff  }
0x5f: {  	v11 =	vld [tilespmem:s12+$0xFFFFFFE0]  }
0x60: {  	v5 =	vld.idx.msk [tilespmem:v5+s30+$0x0], $0xffff  }
0x61: {  	v7 =	vld.idx.msk [tilespmem:v7+s30+$0x0], $0xffff;
	v1 =	vsub.f32 v9, v1  }
0x62: {  	v9 =	vld [tilespmem:s12+$0xFFFFFFF0]  }
0x63: {  	v12 =	vld.idx.msk [tilespmem:v8+s30+$0x0], $0xffff;
	v8 =	vsub.f32 v10, v3;
	v1 =	vmul.f32 v1, v1  }
0x64: {  	v10 =	vld [tilespmem:s12+$0x0]  }
0x65: {  	v3 =	vld.idx.msk [tilespmem:v6+s30+$0x0], $0xffff;
	v11 =	vsub.f32 v11, v5;
	v8 =	vmul.f32 v8, v8;
	v6 =	vadd.f32 v1, v0  }
0x66: {  	v5 =	vld [tilespmem:s12+$0x10]  }
0x67: {  	v1 =	vld.idx.msk [tilespmem:v4+s30+$0x0], $0xffff;
	v9 =	vsub.f32 v9, v7;
	v6 =	vadd.f32 v8, v6;
	v8 =	vmul.f32 v11, v11  }
0x68: {  	v4 =	vld [tilespmem:s12+$0x20]  }
0x69: {  	v2 =	vld.idx.msk [tilespmem:v2+s30+$0x0], $0xffff;
	v7 =	vadd.f32 v8, v6;
	v8 =	vmul.f32 v9, v9;
	v9 =	vsub.f32 v10, v12  }
0x6a: {  	s13 =	simm.s32 $0x0;
	s14 =	simm.s32 $0xC0;
	v6 =	vld [tilespmem:s12+$0x30]  }
.LBB2_2:
0x6b: {  	v10 =	vld [tilespmem:s14+$0xFFFFFFC0];
	s13 =	sadd.s32 $0x8, s13;
	v7 =	vadd.f32 v8, v7;
	v8 =	vmul.f32 v9, v9;
	v3 =	vsub.f32 v5, v3  }
0x6c: {  	v11 =	vld [tilespmem:s14+$0x30];
	p0 =	slt.u32 s13, $0xF8  }
0x6d: {  	v5 =	vld [tilespmem:s14+$0xFFFFFFD0];
	v7 =	vadd.f32 v8, v7;
	v3 =	vmul.f32 v3, v3;
	v1 =	vsub.f32 v4, v1  }
0x6e: {  	v4 =	vld [tilespmem:s14+$0x20]  }
0x6f: {  	v8 =	vld [tilespmem:s14+$0xFFFFFFE0];
	v3 =	vadd.f32 v3, v7;
	v1 =	vmul.f32 v1, v1;
	v2 =	vsub.f32 v6, v2  }
0x70: {  	v6 =	vld [tilespmem:s14+$0x10]  }
0x71: {  	v7 =	vld [tilespmem:s14+$0xFFFFFFF0];
	v1 =	vadd.f32 v1, v3;
	v2 =	vmul.f32 v2, v2  }
0x72: {  	v3 =	vld [tilespmem:s14+$0x0]  }
0x73: {  	s12 =	sadd.s32 $0x80, s12;
	v9 =	vld.idx.msk [tilespmem:v10+s30+$0x0], $0xffff;
	v1 =	vadd.f32 v2, v1  }
0x74: {  	v2 =	vld [tilespmem:s12+$0xFFFFFFC0]  }
0x75: {  	v5 =	vld.idx.msk [tilespmem:v5+s30+$0x0], $0xffff  }
0x76: {  	v10 =	vld [tilespmem:s12+$0xFFFFFFD0]  }
0x77: {  	v8 =	vld.idx.msk [tilespmem:v8+s30+$0x0], $0xffff  }
0x78: {  	v12 =	vld [tilespmem:s12+$0xFFFFFFE0]  }
0x79: {  	v2 =	vsub.f32 v2, v9;
	v7 =	vld.idx.msk [tilespmem:v7+s30+$0x0], $0xffff  }
0x7a: {  	v9 =	vld [tilespmem:s12+$0xFFFFFFF0]  }
0x7b: {  	v2 =	vmul.f32 v2, v2;
	v5 =	vsub.f32 v10, v5;
	v10 =	vld.idx.msk [tilespmem:v3+s30+$0x0], $0xffff  }
0x7c: {  	v13 =	vld [tilespmem:s12+$0x0]  }
0x7d: {  	v1 =	vadd.f32 v2, v1;
	v2 =	vmul.f32 v5, v5;
	v8 =	vsub.f32 v12, v8;
	v3 =	vld.idx.msk [tilespmem:v6+s30+$0x0], $0xffff  }
.Ltmp0:
0x7e: {  	v5 =	vld [tilespmem:s12+$0x10];
	(pc) =	sbr.rel @p0 .LBB2_2-.Ltmp0, $4  }
0x7f: {  	v2 =	vadd.f32 v2, v1;
	v6 =	vmul.f32 v8, v8;
	v8 =	vsub.f32 v9, v7;
	v1 =	vld.idx.msk [tilespmem:v4+s30+$0x0], $0xffff  }
0x80: {  	v4 =	vld [tilespmem:s12+$0x20]  }
0x81: {  	v7 =	vadd.f32 v6, v2;
	v8 =	vmul.f32 v8, v8;
	v9 =	vsub.f32 v13, v10;
	v2 =	vld.idx.msk [tilespmem:v11+s30+$0x0], $0xffff  }
0x82: {  	s14 =	sadd.s32 $0x80, s14;
	v6 =	vld [tilespmem:s12+$0x30]  }
0x83: {  	_ =	swait.ge [sflag:s10], $0x1000  }
0x84: {  	[sflag:s10] =	ssyncset.done $0x0  }
0x85: {  	s12 =	simm.s32 $0x1070;
	[sflag:s10] =	ssyncadd.s32 $0xFFFFF000  }
0x86: {  	[tilespmem:s4], [sflag:$0x2] =	stream.strided.gather [hbm4b:s17+s28], $0x1000, s29, s28, $0x38;
	[tilespmem:$0x1EB80] =	vst v63  }
0x87: {  	v10 =	vld [tilespmem:s12+$0xFFFFFF90]  }
0x88: {  	v11 =	vld [tilespmem:s12+$0x0]  }
0x89: {  	v12 =	vld [tilespmem:s12+$0xFFFFFFA0]  }
0x8a: {  	v13 =	vld [tilespmem:s12+$0xFFFFFFF0]  }
0x8b: {  	v14 =	vld [tilespmem:s12+$0xFFFFFFB0]  }
0x8c: {  	v15 =	vld [tilespmem:s12+$0xFFFFFFE0]  }
0x8d: {  	v16 =	vld [tilespmem:s12+$0xFFFFFFC0]  }
0x8e: {  	v17 =	vld [tilespmem:s12+$0xFFFFFFD0];
	s12 =	simm.s32 $0x5440  }
0x8f: {  	v7 =	vadd.f32 v8, v7;
	v8 =	vmul.f32 v9, v9;
	v3 =	vsub.f32 v5, v3;
	v5 =	vld [tilespmem:s12+$0xFFFFFFC0]  }
0x90: {  	v10 =	vld.idx.msk [tilespmem:v10+s30+$0x0], $0xffff  }
0x91: {  	v7 =	vadd.f32 v8, v7;
	v3 =	vmul.f32 v3, v3;
	v1 =	vsub.f32 v4, v1;
	v4 =	vld [tilespmem:s12+$0xFFFFFFD0]  }
0x92: {  	v9 =	vld.idx.msk [tilespmem:v12+s30+$0x0], $0xffff  }
0x93: {  	v3 =	vadd.f32 v3, v7;
	v1 =	vmul.f32 v1, v1;
	v2 =	vsub.f32 v6, v2;
	v6 =	vld [tilespmem:s12+$0xFFFFFFE0]  }
0x94: {  	v8 =	vld.idx.msk [tilespmem:v14+s30+$0x0], $0xffff  }
0x95: {  	v1 =	vadd.f32 v1, v3;
	v2 =	vmul.f32 v2, v2;
	v7 =	vld.idx.msk [tilespmem:v16+s30+$0x0], $0xffff;
	v3 =	vsub.f32 v5, v10  }
0x96: {  	v10 =	vld [tilespmem:s12+$0xFFFFFFF0]  }
0x97: {  	v1 =	vadd.f32 v2, v1;
	v63 =	vld.idx.msk [tilespmem:v17+s30+$0x0], $0xffff;
	v4 =	vsub.f32 v4, v9;
	v2 =	vmul.f32 v3, v3  }
0x98: {  	v9 =	vld [tilespmem:s12+$0x0]  }
0x99: {  	v6 =	vsub.f32 v6, v8;
	v5 =	vld [tilespmem:s12+$0x10];
	v4 =	vmul.f32 v4, v4;
	v2 =	vadd.f32 v2, v1  }
0x9a: {  	v3 =	vld.idx.msk [tilespmem:v15+s30+$0x0], $0xffff  }
0x9b: {  	v6 =	vmul.f32 v6, v6;
	v1 =	vld.idx.msk [tilespmem:v13+s30+$0x0], $0xffff;
	v10 =	vsub.f32 v10, v7;
	v8 =	vadd.f32 v4, v2  }
0x9c: {  	v4 =	vld [tilespmem:s12+$0x20]  }
0x9d: {  	v9 =	vsub.f32 v9, v63;
	v2 =	vld.idx.msk [tilespmem:v11+s30+$0x0], $0xffff;
	v7 =	vadd.f32 v6, v8;
	v8 =	vmul.f32 v10, v10  }
0x9e: {  	s13 =	simm.s32 $0x0;
	s14 =	simm.s32 $0x10F0;
	v6 =	vld [tilespmem:s12+$0x30]  }
.LBB2_4:
0x9f: {  	v10 =	vld [tilespmem:s14+$0xFFFFFF90];
	s13 =	sadd.s32 $0x8, s13;
	v7 =	vadd.f32 v8, v7;
	v8 =	vmul.f32 v9, v9;
	v3 =	vsub.f32 v5, v3  }
0xa0: {  	v11 =	vld [tilespmem:s14+$0x0];
	p0 =	slt.u32 s13, $0xF8  }
0xa1: {  	v5 =	vld [tilespmem:s14+$0xFFFFFFA0];
	v7 =	vadd.f32 v8, v7;
	v3 =	vmul.f32 v3, v3;
	v1 =	vsub.f32 v4, v1  }
0xa2: {  	v4 =	vld [tilespmem:s14+$0xFFFFFFF0]  }
0xa3: {  	v8 =	vld [tilespmem:s14+$0xFFFFFFB0];
	v3 =	vadd.f32 v3, v7;
	v1 =	vmul.f32 v1, v1;
	v2 =	vsub.f32 v6, v2  }
0xa4: {  	v6 =	vld [tilespmem:s14+$0xFFFFFFE0]  }
0xa5: {  	v7 =	vld [tilespmem:s14+$0xFFFFFFC0];
	v1 =	vadd.f32 v1, v3;
	v2 =	vmul.f32 v2, v2  }
0xa6: {  	v3 =	vld [tilespmem:s14+$0xFFFFFFD0]  }
0xa7: {  	s12 =	sadd.s32 $0x80, s12;
	v9 =	vld.idx.msk [tilespmem:v10+s30+$0x0], $0xffff;
	v1 =	vadd.f32 v2, v1  }
0xa8: {  	v2 =	vld [tilespmem:s12+$0xFFFFFFC0]  }
0xa9: {  	v5 =	vld.idx.msk [tilespmem:v5+s30+$0x0], $0xffff  }
0xaa: {  	v10 =	vld [tilespmem:s12+$0xFFFFFFD0]  }
0xab: {  	v8 =	vld.idx.msk [tilespmem:v8+s30+$0x0], $0xffff  }
0xac: {  	v12 =	vld [tilespmem:s12+$0xFFFFFFE0]  }
0xad: {  	v2 =	vsub.f32 v2, v9;
	v7 =	vld.idx.msk [tilespmem:v7+s30+$0x0], $0xffff  }
0xae: {  	v9 =	vld [tilespmem:s12+$0xFFFFFFF0]  }
0xaf: {  	v2 =	vmul.f32 v2, v2;
	v5 =	vsub.f32 v10, v5;
	v10 =	vld.idx.msk [tilespmem:v3+s30+$0x0], $0xffff  }
0xb0: {  	v13 =	vld [tilespmem:s12+$0x0]  }
0xb1: {  	v1 =	vadd.f32 v2, v1;
	v2 =	vmul.f32 v5, v5;
	v8 =	vsub.f32 v12, v8;
	v3 =	vld.idx.msk [tilespmem:v6+s30+$0x0], $0xffff  }
.Ltmp1:
0xb2: {  	v5 =	vld [tilespmem:s12+$0x10];
	(pc) =	sbr.rel @p0 .LBB2_4-.Ltmp1, $4  }
0xb3: {  	v2 =	vadd.f32 v2, v1;
	v6 =	vmul.f32 v8, v8;
	v8 =	vsub.f32 v9, v7;
	v1 =	vld.idx.msk [tilespmem:v4+s30+$0x0], $0xffff  }
0xb4: {  	v4 =	vld [tilespmem:s12+$0x20]  }
0xb5: {  	v7 =	vadd.f32 v6, v2;
	v8 =	vmul.f32 v8, v8;
	v9 =	vsub.f32 v13, v10;
	v2 =	vld.idx.msk [tilespmem:v11+s30+$0x0], $0xffff  }
0xb6: {  	s14 =	sadd.s32 $0x80, s14;
	v6 =	vld [tilespmem:s12+$0x30]  }
0xb7: {  	_ =	swait.ge [sflag:s8], $0x1000  }
0xb8: {  	[sflag:s8] =	ssyncset.done $0x0  }
0xb9: {  	s12 =	simm.s32 $0x2070;
	[sflag:s8] =	ssyncadd.s32 $0xFFFFF000  }
0xba: {  	[tilespmem:s9], [sflag:$0x3] =	stream.strided.gather [hbm4b:s18+s28], $0x1000, s29, s28, $0x38;
	[tilespmem:$0x1EB80] =	vst v63  }
0xbb: {  	v10 =	vld [tilespmem:s12+$0xFFFFFF90]  }
0xbc: {  	v11 =	vld [tilespmem:s12+$0x0]  }
0xbd: {  	v12 =	vld [tilespmem:s12+$0xFFFFFFA0]  }
0xbe: {  	v13 =	vld [tilespmem:s12+$0xFFFFFFF0]  }
0xbf: {  	v14 =	vld [tilespmem:s12+$0xFFFFFFB0]  }
0xc0: {  	v15 =	vld [tilespmem:s12+$0xFFFFFFE0]  }
0xc1: {  	v16 =	vld [tilespmem:s12+$0xFFFFFFC0]  }
0xc2: {  	v17 =	vld [tilespmem:s12+$0xFFFFFFD0];
	s12 =	simm.s32 $0x4440  }
0xc3: {  	v7 =	vadd.f32 v8, v7;
	v8 =	vmul.f32 v9, v9;
	v3 =	vsub.f32 v5, v3;
	v5 =	vld [tilespmem:s12+$0xFFFFFFC0]  }
0xc4: {  	v10 =	vld.idx.msk [tilespmem:v10+s30+$0x0], $0xffff  }
0xc5: {  	v7 =	vadd.f32 v8, v7;
	v3 =	vmul.f32 v3, v3;
	v1 =	vsub.f32 v4, v1;
	v4 =	vld [tilespmem:s12+$0xFFFFFFD0]  }
0xc6: {  	v9 =	vld.idx.msk [tilespmem:v12+s30+$0x0], $0xffff  }
0xc7: {  	v3 =	vadd.f32 v3, v7;
	v1 =	vmul.f32 v1, v1;
	v2 =	vsub.f32 v6, v2;
	v6 =	vld [tilespmem:s12+$0xFFFFFFE0]  }
0xc8: {  	v8 =	vld.idx.msk [tilespmem:v14+s30+$0x0], $0xffff  }
0xc9: {  	v1 =	vadd.f32 v1, v3;
	v2 =	vmul.f32 v2, v2;
	v7 =	vld.idx.msk [tilespmem:v16+s30+$0x0], $0xffff;
	v3 =	vsub.f32 v5, v10  }
0xca: {  	v10 =	vld [tilespmem:s12+$0xFFFFFFF0]  }
0xcb: {  	v1 =	vadd.f32 v2, v1;
	v63 =	vld.idx.msk [tilespmem:v17+s30+$0x0], $0xffff;
	v4 =	vsub.f32 v4, v9;
	v2 =	vmul.f32 v3, v3  }
0xcc: {  	v9 =	vld [tilespmem:s12+$0x0]  }
0xcd: {  	v6 =	vsub.f32 v6, v8;
	v5 =	vld [tilespmem:s12+$0x10];
	v4 =	vmul.f32 v4, v4;
	v2 =	vadd.f32 v2, v1  }
0xce: {  	v3 =	vld.idx.msk [tilespmem:v15+s30+$0x0], $0xffff  }
0xcf: {  	v6 =	vmul.f32 v6, v6;
	v1 =	vld.idx.msk [tilespmem:v13+s30+$0x0], $0xffff;
	v10 =	vsub.f32 v10, v7;
	v8 =	vadd.f32 v4, v2  }
0xd0: {  	v4 =	vld [tilespmem:s12+$0x20]  }
0xd1: {  	v9 =	vsub.f32 v9, v63;
	v2 =	vld.idx.msk [tilespmem:v11+s30+$0x0], $0xffff;
	v7 =	vadd.f32 v6, v8;
	v8 =	vmul.f32 v10, v10  }
0xd2: {  	s13 =	simm.s32 $0x0;
	s14 =	simm.s32 $0x20F0;
	v6 =	vld [tilespmem:s12+$0x30]  }
.LBB2_6:
0xd3: {  	v10 =	vld [tilespmem:s14+$0xFFFFFF90];
	s13 =	sadd.s32 $0x8, s13;
	v7 =	vadd.f32 v8, v7;
	v8 =	vmul.f32 v9, v9;
	v3 =	vsub.f32 v5, v3  }
0xd4: {  	v11 =	vld [tilespmem:s14+$0x0];
	p0 =	slt.u32 s13, $0xF8  }
0xd5: {  	v5 =	vld [tilespmem:s14+$0xFFFFFFA0];
	v7 =	vadd.f32 v8, v7;
	v3 =	vmul.f32 v3, v3;
	v1 =	vsub.f32 v4, v1  }
0xd6: {  	v4 =	vld [tilespmem:s14+$0xFFFFFFF0]  }
0xd7: {  	v8 =	vld [tilespmem:s14+$0xFFFFFFB0];
	v3 =	vadd.f32 v3, v7;
	v1 =	vmul.f32 v1, v1;
	v2 =	vsub.f32 v6, v2  }
0xd8: {  	v6 =	vld [tilespmem:s14+$0xFFFFFFE0]  }
0xd9: {  	v7 =	vld [tilespmem:s14+$0xFFFFFFC0];
	v1 =	vadd.f32 v1, v3;
	v2 =	vmul.f32 v2, v2  }
0xda: {  	v3 =	vld [tilespmem:s14+$0xFFFFFFD0]  }
0xdb: {  	s12 =	sadd.s32 $0x80, s12;
	v9 =	vld.idx.msk [tilespmem:v10+s30+$0x0], $0xffff;
	v1 =	vadd.f32 v2, v1  }
0xdc: {  	v2 =	vld [tilespmem:s12+$0xFFFFFFC0]  }
0xdd: {  	v5 =	vld.idx.msk [tilespmem:v5+s30+$0x0], $0xffff  }
0xde: {  	v10 =	vld [tilespmem:s12+$0xFFFFFFD0]  }
0xdf: {  	v8 =	vld.idx.msk [tilespmem:v8+s30+$0x0], $0xffff  }
0xe0: {  	v12 =	vld [tilespmem:s12+$0xFFFFFFE0]  }
0xe1: {  	v2 =	vsub.f32 v2, v9;
	v7 =	vld.idx.msk [tilespmem:v7+s30+$0x0], $0xffff  }
0xe2: {  	v9 =	vld [tilespmem:s12+$0xFFFFFFF0]  }
0xe3: {  	v2 =	vmul.f32 v2, v2;
	v5 =	vsub.f32 v10, v5;
	v10 =	vld.idx.msk [tilespmem:v3+s30+$0x0], $0xffff  }
0xe4: {  	v13 =	vld [tilespmem:s12+$0x0]  }
0xe5: {  	v1 =	vadd.f32 v2, v1;
	v2 =	vmul.f32 v5, v5;
	v8 =	vsub.f32 v12, v8;
	v3 =	vld.idx.msk [tilespmem:v6+s30+$0x0], $0xffff  }
.Ltmp2:
0xe6: {  	v5 =	vld [tilespmem:s12+$0x10];
	(pc) =	sbr.rel @p0 .LBB2_6-.Ltmp2, $4  }
0xe7: {  	v2 =	vadd.f32 v2, v1;
	v6 =	vmul.f32 v8, v8;
	v8 =	vsub.f32 v9, v7;
	v1 =	vld.idx.msk [tilespmem:v4+s30+$0x0], $0xffff  }
0xe8: {  	v4 =	vld [tilespmem:s12+$0x20]  }
0xe9: {  	v7 =	vadd.f32 v6, v2;
	v8 =	vmul.f32 v8, v8;
	v9 =	vsub.f32 v13, v10;
	v2 =	vld.idx.msk [tilespmem:v11+s30+$0x0], $0xffff  }
0xea: {  	s14 =	sadd.s32 $0x80, s14;
	v6 =	vld [tilespmem:s12+$0x30]  }
0xeb: {  	_ =	swait.ge [sflag:s10], $0x1000  }
0xec: {  	[sflag:s10] =	ssyncset.done $0x0  }
0xed: {  	s12 =	simm.s32 $0x3070;
	[sflag:s10] =	ssyncadd.s32 $0xFFFFF000  }
0xee: {  	[tilespmem:s4], [sflag:$0x2] =	stream.strided.gather [hbm4b:s19+s28], $0x1000, s29, s28, $0x38;
	[tilespmem:$0x1EB80] =	vst v63  }
0xef: {  	v10 =	vld [tilespmem:s12+$0xFFFFFF90]  }
0xf0: {  	v11 =	vld [tilespmem:s12+$0x0]  }
0xf1: {  	v12 =	vld [tilespmem:s12+$0xFFFFFFA0]  }
0xf2: {  	v13 =	vld [tilespmem:s12+$0xFFFFFFF0]  }
0xf3: {  	v14 =	vld [tilespmem:s12+$0xFFFFFFB0]  }
0xf4: {  	v15 =	vld [tilespmem:s12+$0xFFFFFFE0]  }
0xf5: {  	v16 =	vld [tilespmem:s12+$0xFFFFFFC0]  }
0xf6: {  	v17 =	vld [tilespmem:s12+$0xFFFFFFD0];
	s12 =	simm.s32 $0x5440  }
0xf7: {  	v7 =	vadd.f32 v8, v7;
	v8 =	vmul.f32 v9, v9;
	v3 =	vsub.f32 v5, v3;
	v5 =	vld [tilespmem:s12+$0xFFFFFFC0]  }
0xf8: {  	v10 =	vld.idx.msk [tilespmem:v10+s30+$0x0], $0xffff  }
0xf9: {  	v7 =	vadd.f32 v8, v7;
	v3 =	vmul.f32 v3, v3;
	v1 =	vsub.f32 v4, v1;
	v4 =	vld [tilespmem:s12+$0xFFFFFFD0]  }
0xfa: {  	v9 =	vld.idx.msk [tilespmem:v12+s30+$0x0], $0xffff  }
0xfb: {  	v3 =	vadd.f32 v3, v7;
	v1 =	vmul.f32 v1, v1;
	v2 =	vsub.f32 v6, v2;
	v6 =	vld [tilespmem:s12+$0xFFFFFFE0]  }
0xfc: {  	v8 =	vld.idx.msk [tilespmem:v14+s30+$0x0], $0xffff  }
0xfd: {  	v1 =	vadd.f32 v1, v3;
	v2 =	vmul.f32 v2, v2;
	v7 =	vld.idx.msk [tilespmem:v16+s30+$0x0], $0xffff;
	v3 =	vsub.f32 v5, v10  }
0xfe: {  	v10 =	vld [tilespmem:s12+$0xFFFFFFF0]  }
0xff: {  	v1 =	vadd.f32 v2, v1;
	v63 =	vld.idx.msk [tilespmem:v17+s30+$0x0], $0xffff;
	v4 =	vsub.f32 v4, v9;
	v2 =	vmul.f32 v3, v3  }
0x100: {  	v9 =	vld [tilespmem:s12+$0x0]  }
0x101: {  	v6 =	vsub.f32 v6, v8;
	v5 =	vld [tilespmem:s12+$0x10];
	v4 =	vmul.f32 v4, v4;
	v2 =	vadd.f32 v2, v1  }
0x102: {  	v3 =	vld.idx.msk [tilespmem:v15+s30+$0x0], $0xffff  }
0x103: {  	v6 =	vmul.f32 v6, v6;
	v1 =	vld.idx.msk [tilespmem:v13+s30+$0x0], $0xffff;
	v10 =	vsub.f32 v10, v7;
	v8 =	vadd.f32 v4, v2  }
0x104: {  	v4 =	vld [tilespmem:s12+$0x20]  }
0x105: {  	v9 =	vsub.f32 v9, v63;
	v2 =	vld.idx.msk [tilespmem:v11+s30+$0x0], $0xffff;
	v7 =	vadd.f32 v6, v8;
	v8 =	vmul.f32 v10, v10  }
0x106: {  	s13 =	simm.s32 $0x0;
	s14 =	simm.s32 $0x30F0;
	v6 =	vld [tilespmem:s12+$0x30]  }
.LBB2_8:
0x107: {  	v10 =	vld [tilespmem:s14+$0xFFFFFF90];
	s13 =	sadd.s32 $0x8, s13;
	v7 =	vadd.f32 v8, v7;
	v8 =	vmul.f32 v9, v9;
	v3 =	vsub.f32 v5, v3  }
0x108: {  	v11 =	vld [tilespmem:s14+$0x0];
	p0 =	slt.u32 s13, $0xF8  }
0x109: {  	v5 =	vld [tilespmem:s14+$0xFFFFFFA0];
	v7 =	vadd.f32 v8, v7;
	v3 =	vmul.f32 v3, v3;
	v1 =	vsub.f32 v4, v1  }
0x10a: {  	v4 =	vld [tilespmem:s14+$0xFFFFFFF0]  }
0x10b: {  	v8 =	vld [tilespmem:s14+$0xFFFFFFB0];
	v3 =	vadd.f32 v3, v7;
	v1 =	vmul.f32 v1, v1;
	v2 =	vsub.f32 v6, v2  }
0x10c: {  	v6 =	vld [tilespmem:s14+$0xFFFFFFE0]  }
0x10d: {  	v7 =	vld [tilespmem:s14+$0xFFFFFFC0];
	v1 =	vadd.f32 v1, v3;
	v2 =	vmul.f32 v2, v2  }
0x10e: {  	v3 =	vld [tilespmem:s14+$0xFFFFFFD0]  }
0x10f: {  	s12 =	sadd.s32 $0x80, s12;
	v9 =	vld.idx.msk [tilespmem:v10+s30+$0x0], $0xffff;
	v1 =	vadd.f32 v2, v1  }
0x110: {  	v2 =	vld [tilespmem:s12+$0xFFFFFFC0]  }
0x111: {  	v5 =	vld.idx.msk [tilespmem:v5+s30+$0x0], $0xffff  }
0x112: {  	v10 =	vld [tilespmem:s12+$0xFFFFFFD0]  }
0x113: {  	v8 =	vld.idx.msk [tilespmem:v8+s30+$0x0], $0xffff  }
0x114: {  	v12 =	vld [tilespmem:s12+$0xFFFFFFE0]  }
0x115: {  	v2 =	vsub.f32 v2, v9;
	v7 =	vld.idx.msk [tilespmem:v7+s30+$0x0], $0xffff  }
0x116: {  	v9 =	vld [tilespmem:s12+$0xFFFFFFF0]  }
0x117: {  	v2 =	vmul.f32 v2, v2;
	v5 =	vsub.f32 v10, v5;
	v10 =	vld.idx.msk [tilespmem:v3+s30+$0x0], $0xffff  }
0x118: {  	v13 =	vld [tilespmem:s12+$0x0]  }
0x119: {  	v1 =	vadd.f32 v2, v1;
	v2 =	vmul.f32 v5, v5;
	v8 =	vsub.f32 v12, v8;
	v3 =	vld.idx.msk [tilespmem:v6+s30+$0x0], $0xffff  }
.Ltmp3:
0x11a: {  	v5 =	vld [tilespmem:s12+$0x10];
	(pc) =	sbr.rel @p0 .LBB2_8-.Ltmp3, $4  }
0x11b: {  	v2 =	vadd.f32 v2, v1;
	v6 =	vmul.f32 v8, v8;
	v8 =	vsub.f32 v9, v7;
	v1 =	vld.idx.msk [tilespmem:v4+s30+$0x0], $0xffff  }
0x11c: {  	v4 =	vld [tilespmem:s12+$0x20]  }
0x11d: {  	v7 =	vadd.f32 v6, v2;
	v8 =	vmul.f32 v8, v8;
	v9 =	vsub.f32 v13, v10;
	v2 =	vld.idx.msk [tilespmem:v11+s30+$0x0], $0xffff  }
0x11e: {  	s14 =	sadd.s32 $0x80, s14;
	v6 =	vld [tilespmem:s12+$0x30]  }
0x11f: {  	s12 =	rddreg [dreg:$0xe]  }
0x120: {  	[tilespmem:s30], [sflag:$0x4] =	stream.strided.gather [hbm4b:s12+s28], $0x6200, s29, s28, $0x38;
	[tilespmem:$0x1EB80] =	vst v63  }
0x121: {  	s14 =	rddreg [dreg:$0xf]  }
0x122: {  	[tilespmem:s31], [sflag:$0x4] =	stream.strided.gather [hbm4b:s14+s28], $0x6200, s29, s28, $0x38;
	[tilespmem:$0x1EB80] =	vst v63  }
0x123: {  	s13 =	rddreg [dreg:$0x10]  }
0x124: {  	[tilespmem:s0], [sflag:$0x4] =	stream.strided.gather [hbm4b:s13+s28], $0x6200, s29, s28, $0x38;
	[tilespmem:$0x1EB80] =	vst v63  }
0x125: {  	_ = 	snop  }
0x126: {  	[tilespmem:s1], [sflag:$0x4] =	stream.strided.gather [hbm4b:s15+s28], $0x6080, s29, s28, $0x38;
	[tilespmem:$0x1EB80] =	vst v63  }
0x127: {  	_ = 	snop  }
0x128: {  	[tilespmem:s2], [sflag:$0x4] =	stream.linear.gather [hbm4b:s16+s3], $0x80, $0x38;
	[tilespmem:$0x1EB80] =	vst v63  }
0x129: {  	_ =	swait.ge [sflag:s7], $0x6200  }
0x12a: {  	[sflag:s7] =	ssyncset.done $0x0  }
0x12b: {  	[sflag:s7] =	ssyncadd.s32 $0xFFFF9E00  }
0x12c: {  	_ =	swait.ge [sflag:s7], $0x6200  }
0x12d: {  	[sflag:s7] =	ssyncset.done $0x0  }
0x12e: {  	[sflag:s7] =	ssyncadd.s32 $0xFFFF9E00  }
0x12f: {  	_ =	swait.ge [sflag:s7], $0x6200  }
0x130: {  	[sflag:s7] =	ssyncset.done $0x0  }
0x131: {  	[sflag:s7] =	ssyncadd.s32 $0xFFFF9E00  }
0x132: {  	_ =	swait.ge [sflag:s7], $0x6080  }
0x133: {  	[sflag:s7] =	ssyncset.done $0x0  }
0x134: {  	[sflag:s7] =	ssyncadd.s32 $0xFFFF9F80  }
0x135: {  	_ =	swait.ge [sflag:s7], $0x80  }
0x136: {  	[sflag:s7] =	ssyncset.done $0x0  }
0x137: {  	[sflag:s7] =	ssyncadd.s32 $0xFFFFFF80  }
0x138: {  	_ =	swait.ge [sflag:s8], $0x1000  }
0x139: {  	[sflag:s8] =	ssyncset.done $0x0  }
0x13a: {  	s14 =	simm.s32 $0x40;
	[sflag:s8] =	ssyncadd.s32 $0xFFFFF000  }
0x13b: {  	[tilespmem:s9], [sflag:$0x3] =	stream.strided.gather [hbm4b:s20+s28], $0x1000, s29, s28, $0x38;
	[tilespmem:$0x1EB80] =	vst v63  }
0x13c: {  	v10 =	vld [tilespmem:s14+$0xFFFFFFC0]  }
0x13d: {  	v11 =	vld [tilespmem:s14+$0x30]  }
0x13e: {  	v12 =	vld [tilespmem:s14+$0xFFFFFFD0]  }
0x13f: {  	v13 =	vld [tilespmem:s14+$0x20]  }
0x140: {  	v14 =	vld [tilespmem:s14+$0xFFFFFFE0]  }
0x141: {  	v15 =	vld [tilespmem:s14+$0x10]  }
0x142: {  	v16 =	vld [tilespmem:s14+$0xFFFFFFF0]  }
0x143: {  	s12 =	simm.s32 $0x4440;
	v17 =	vld [tilespmem:s14+$0x0]  }
0x144: {  	v7 =	vadd.f32 v8, v7;
	v8 =	vmul.f32 v9, v9;
	v3 =	vsub.f32 v5, v3;
	v5 =	vld [tilespmem:s12+$0xFFFFFFC0]  }
0x145: {  	v10 =	vld.idx.msk [tilespmem:v10+s30+$0x0], $0xffff  }
0x146: {  	v7 =	vadd.f32 v8, v7;
	v3 =	vmul.f32 v3, v3;
	v1 =	vsub.f32 v4, v1;
	v4 =	vld [tilespmem:s12+$0xFFFFFFD0]  }
0x147: {  	v9 =	vld.idx.msk [tilespmem:v12+s30+$0x0], $0xffff  }
0x148: {  	v3 =	vadd.f32 v3, v7;
	v1 =	vmul.f32 v1, v1;
	v2 =	vsub.f32 v6, v2;
	v6 =	vld [tilespmem:s12+$0xFFFFFFE0]  }
0x149: {  	v8 =	vld.idx.msk [tilespmem:v14+s30+$0x0], $0xffff  }
0x14a: {  	v1 =	vadd.f32 v1, v3;
	v2 =	vmul.f32 v2, v2;
	v7 =	vld.idx.msk [tilespmem:v16+s30+$0x0], $0xffff;
	v3 =	vsub.f32 v5, v10  }
0x14b: {  	v10 =	vld [tilespmem:s12+$0xFFFFFFF0]  }
0x14c: {  	v1 =	vadd.f32 v2, v1;
	v63 =	vld.idx.msk [tilespmem:v17+s30+$0x0], $0xffff;
	v4 =	vsub.f32 v4, v9;
	v2 =	vmul.f32 v3, v3  }
0x14d: {  	v9 =	vld [tilespmem:s12+$0x0]  }
0x14e: {  	v6 =	vsub.f32 v6, v8;
	v5 =	vld [tilespmem:s12+$0x10];
	v4 =	vmul.f32 v4, v4;
	v2 =	vadd.f32 v2, v1  }
0x14f: {  	v3 =	vld.idx.msk [tilespmem:v15+s30+$0x0], $0xffff  }
0x150: {  	v6 =	vmul.f32 v6, v6;
	v1 =	vld.idx.msk [tilespmem:v13+s30+$0x0], $0xffff;
	v10 =	vsub.f32 v10, v7;
	v8 =	vadd.f32 v4, v2  }
0x151: {  	v4 =	vld [tilespmem:s12+$0x20]  }
0x152: {  	v9 =	vsub.f32 v9, v63;
	v2 =	vld.idx.msk [tilespmem:v11+s30+$0x0], $0xffff;
	v7 =	vadd.f32 v6, v8;
	v8 =	vmul.f32 v10, v10  }
0x153: {  	s13 =	simm.s32 $0x0;
	s14 =	simm.s32 $0xC0;
	v6 =	vld [tilespmem:s12+$0x30]  }
.LBB2_10:
0x154: {  	v10 =	vld [tilespmem:s14+$0xFFFFFFC0];
	s13 =	sadd.s32 $0x8, s13;
	v7 =	vadd.f32 v8, v7;
	v8 =	vmul.f32 v9, v9;
	v3 =	vsub.f32 v5, v3  }
0x155: {  	v11 =	vld [tilespmem:s14+$0x30];
	p0 =	slt.u32 s13, $0xF8  }
0x156: {  	v5 =	vld [tilespmem:s14+$0xFFFFFFD0];
	v7 =	vadd.f32 v8, v7;
	v3 =	vmul.f32 v3, v3;
	v1 =	vsub.f32 v4, v1  }
0x157: {  	v4 =	vld [tilespmem:s14+$0x20]  }
0x158: {  	v8 =	vld [tilespmem:s14+$0xFFFFFFE0];
	v3 =	vadd.f32 v3, v7;
	v1 =	vmul.f32 v1, v1;
	v2 =	vsub.f32 v6, v2  }
0x159: {  	v6 =	vld [tilespmem:s14+$0x10]  }
0x15a: {  	v7 =	vld [tilespmem:s14+$0xFFFFFFF0];
	v1 =	vadd.f32 v1, v3;
	v2 =	vmul.f32 v2, v2  }
0x15b: {  	v3 =	vld [tilespmem:s14+$0x0]  }
0x15c: {  	s12 =	sadd.s32 $0x80, s12;
	v9 =	vld.idx.msk [tilespmem:v10+s30+$0x0], $0xffff;
	v1 =	vadd.f32 v2, v1  }
0x15d: {  	v2 =	vld [tilespmem:s12+$0xFFFFFFC0]  }
0x15e: {  	v5 =	vld.idx.msk [tilespmem:v5+s30+$0x0], $0xffff  }
0x15f: {  	v10 =	vld [tilespmem:s12+$0xFFFFFFD0]  }
0x160: {  	v8 =	vld.idx.msk [tilespmem:v8+s30+$0x0], $0xffff  }
0x161: {  	v12 =	vld [tilespmem:s12+$0xFFFFFFE0]  }
0x162: {  	v2 =	vsub.f32 v2, v9;
	v7 =	vld.idx.msk [tilespmem:v7+s30+$0x0], $0xffff  }
0x163: {  	v9 =	vld [tilespmem:s12+$0xFFFFFFF0]  }
0x164: {  	v2 =	vmul.f32 v2, v2;
	v5 =	vsub.f32 v10, v5;
	v10 =	vld.idx.msk [tilespmem:v3+s30+$0x0], $0xffff  }
0x165: {  	v13 =	vld [tilespmem:s12+$0x0]  }
0x166: {  	v1 =	vadd.f32 v2, v1;
	v2 =	vmul.f32 v5, v5;
	v8 =	vsub.f32 v12, v8;
	v3 =	vld.idx.msk [tilespmem:v6+s30+$0x0], $0xffff  }
.Ltmp4:
0x167: {  	v5 =	vld [tilespmem:s12+$0x10];
	(pc) =	sbr.rel @p0 .LBB2_10-.Ltmp4, $4  }
0x168: {  	v2 =	vadd.f32 v2, v1;
	v6 =	vmul.f32 v8, v8;
	v8 =	vsub.f32 v9, v7;
	v1 =	vld.idx.msk [tilespmem:v4+s30+$0x0], $0xffff  }
0x169: {  	v4 =	vld [tilespmem:s12+$0x20]  }
0x16a: {  	v7 =	vadd.f32 v6, v2;
	v8 =	vmul.f32 v8, v8;
	v9 =	vsub.f32 v13, v10;
	v2 =	vld.idx.msk [tilespmem:v11+s30+$0x0], $0xffff  }
0x16b: {  	s14 =	sadd.s32 $0x80, s14;
	v6 =	vld [tilespmem:s12+$0x30]  }
0x16c: {  	_ =	swait.ge [sflag:s10], $0x1000  }
0x16d: {  	[sflag:s10] =	ssyncset.done $0x0  }
0x16e: {  	s12 =	simm.s32 $0x1070;
	[sflag:s10] =	ssyncadd.s32 $0xFFFFF000  }
0x16f: {  	[tilespmem:s4], [sflag:$0x2] =	stream.strided.gather [hbm4b:s21+s28], $0x1000, s29, s28, $0x38;
	[tilespmem:$0x1EB80] =	vst v63  }
0x170: {  	v10 =	vld [tilespmem:s12+$0xFFFFFF90]  }
0x171: {  	v11 =	vld [tilespmem:s12+$0x0]  }
0x172: {  	v12 =	vld [tilespmem:s12+$0xFFFFFFA0]  }
0x173: {  	v13 =	vld [tilespmem:s12+$0xFFFFFFF0]  }
0x174: {  	v14 =	vld [tilespmem:s12+$0xFFFFFFB0]  }
0x175: {  	v15 =	vld [tilespmem:s12+$0xFFFFFFE0]  }
0x176: {  	v16 =	vld [tilespmem:s12+$0xFFFFFFC0]  }
0x177: {  	v17 =	vld [tilespmem:s12+$0xFFFFFFD0];
	s12 =	simm.s32 $0x5440  }
0x178: {  	v7 =	vadd.f32 v8, v7;
	v8 =	vmul.f32 v9, v9;
	v3 =	vsub.f32 v5, v3;
	v5 =	vld [tilespmem:s12+$0xFFFFFFC0]  }
0x179: {  	v10 =	vld.idx.msk [tilespmem:v10+s30+$0x0], $0xffff  }
0x17a: {  	v7 =	vadd.f32 v8, v7;
	v3 =	vmul.f32 v3, v3;
	v1 =	vsub.f32 v4, v1;
	v4 =	vld [tilespmem:s12+$0xFFFFFFD0]  }
0x17b: {  	v9 =	vld.idx.msk [tilespmem:v12+s30+$0x0], $0xffff  }
0x17c: {  	v3 =	vadd.f32 v3, v7;
	v1 =	vmul.f32 v1, v1;
	v2 =	vsub.f32 v6, v2;
	v6 =	vld [tilespmem:s12+$0xFFFFFFE0]  }
0x17d: {  	v8 =	vld.idx.msk [tilespmem:v14+s30+$0x0], $0xffff  }
0x17e: {  	v1 =	vadd.f32 v1, v3;
	v2 =	vmul.f32 v2, v2;
	v7 =	vld.idx.msk [tilespmem:v16+s30+$0x0], $0xffff;
	v3 =	vsub.f32 v5, v10  }
0x17f: {  	v10 =	vld [tilespmem:s12+$0xFFFFFFF0]  }
0x180: {  	v1 =	vadd.f32 v2, v1;
	v63 =	vld.idx.msk [tilespmem:v17+s30+$0x0], $0xffff;
	v4 =	vsub.f32 v4, v9;
	v2 =	vmul.f32 v3, v3  }
0x181: {  	v9 =	vld [tilespmem:s12+$0x0]  }
0x182: {  	v6 =	vsub.f32 v6, v8;
	v5 =	vld [tilespmem:s12+$0x10];
	v4 =	vmul.f32 v4, v4;
	v2 =	vadd.f32 v2, v1  }
0x183: {  	v3 =	vld.idx.msk [tilespmem:v15+s30+$0x0], $0xffff  }
0x184: {  	v6 =	vmul.f32 v6, v6;
	v1 =	vld.idx.msk [tilespmem:v13+s30+$0x0], $0xffff;
	v10 =	vsub.f32 v10, v7;
	v8 =	vadd.f32 v4, v2  }
0x185: {  	v4 =	vld [tilespmem:s12+$0x20]  }
0x186: {  	v9 =	vsub.f32 v9, v63;
	v2 =	vld.idx.msk [tilespmem:v11+s30+$0x0], $0xffff;
	v7 =	vadd.f32 v6, v8;
	v8 =	vmul.f32 v10, v10  }
0x187: {  	s13 =	simm.s32 $0x0;
	s14 =	simm.s32 $0x10F0;
	v6 =	vld [tilespmem:s12+$0x30]  }
.LBB2_12:
0x188: {  	v10 =	vld [tilespmem:s14+$0xFFFFFF90];
	s13 =	sadd.s32 $0x8, s13;
	v7 =	vadd.f32 v8, v7;
	v8 =	vmul.f32 v9, v9;
	v3 =	vsub.f32 v5, v3  }
0x189: {  	v11 =	vld [tilespmem:s14+$0x0];
	p0 =	slt.u32 s13, $0xF8  }
0x18a: {  	v5 =	vld [tilespmem:s14+$0xFFFFFFA0];
	v7 =	vadd.f32 v8, v7;
	v3 =	vmul.f32 v3, v3;
	v1 =	vsub.f32 v4, v1  }
0x18b: {  	v4 =	vld [tilespmem:s14+$0xFFFFFFF0]  }
0x18c: {  	v8 =	vld [tilespmem:s14+$0xFFFFFFB0];
	v3 =	vadd.f32 v3, v7;
	v1 =	vmul.f32 v1, v1;
	v2 =	vsub.f32 v6, v2  }
0x18d: {  	v6 =	vld [tilespmem:s14+$0xFFFFFFE0]  }
0x18e: {  	v7 =	vld [tilespmem:s14+$0xFFFFFFC0];
	v1 =	vadd.f32 v1, v3;
	v2 =	vmul.f32 v2, v2  }
0x18f: {  	v3 =	vld [tilespmem:s14+$0xFFFFFFD0]  }
0x190: {  	s12 =	sadd.s32 $0x80, s12;
	v9 =	vld.idx.msk [tilespmem:v10+s30+$0x0], $0xffff;
	v1 =	vadd.f32 v2, v1  }
0x191: {  	v2 =	vld [tilespmem:s12+$0xFFFFFFC0]  }
0x192: {  	v5 =	vld.idx.msk [tilespmem:v5+s30+$0x0], $0xffff  }
0x193: {  	v10 =	vld [tilespmem:s12+$0xFFFFFFD0]  }
0x194: {  	v8 =	vld.idx.msk [tilespmem:v8+s30+$0x0], $0xffff  }
0x195: {  	v12 =	vld [tilespmem:s12+$0xFFFFFFE0]  }
0x196: {  	v2 =	vsub.f32 v2, v9;
	v7 =	vld.idx.msk [tilespmem:v7+s30+$0x0], $0xffff  }
0x197: {  	v9 =	vld [tilespmem:s12+$0xFFFFFFF0]  }
0x198: {  	v2 =	vmul.f32 v2, v2;
	v5 =	vsub.f32 v10, v5;
	v10 =	vld.idx.msk [tilespmem:v3+s30+$0x0], $0xffff  }
0x199: {  	v13 =	vld [tilespmem:s12+$0x0]  }
0x19a: {  	v1 =	vadd.f32 v2, v1;
	v2 =	vmul.f32 v5, v5;
	v8 =	vsub.f32 v12, v8;
	v3 =	vld.idx.msk [tilespmem:v6+s30+$0x0], $0xffff  }
.Ltmp5:
0x19b: {  	v5 =	vld [tilespmem:s12+$0x10];
	(pc) =	sbr.rel @p0 .LBB2_12-.Ltmp5, $4  }
0x19c: {  	v2 =	vadd.f32 v2, v1;
	v6 =	vmul.f32 v8, v8;
	v8 =	vsub.f32 v9, v7;
	v1 =	vld.idx.msk [tilespmem:v4+s30+$0x0], $0xffff  }
0x19d: {  	v4 =	vld [tilespmem:s12+$0x20]  }
0x19e: {  	v7 =	vadd.f32 v6, v2;
	v8 =	vmul.f32 v8, v8;
	v9 =	vsub.f32 v13, v10;
	v2 =	vld.idx.msk [tilespmem:v11+s30+$0x0], $0xffff  }
0x19f: {  	s14 =	sadd.s32 $0x80, s14;
	v6 =	vld [tilespmem:s12+$0x30]  }
0x1a0: {  	_ =	swait.ge [sflag:s8], $0x1000  }
0x1a1: {  	[sflag:s8] =	ssyncset.done $0x0  }
0x1a2: {  	s12 =	simm.s32 $0x2070;
	[sflag:s8] =	ssyncadd.s32 $0xFFFFF000  }
0x1a3: {  	[tilespmem:s9], [sflag:$0x3] =	stream.strided.gather [hbm4b:s22+s28], $0x1000, s29, s28, $0x38;
	[tilespmem:$0x1EB80] =	vst v63  }
0x1a4: {  	v10 =	vld [tilespmem:s12+$0xFFFFFF90]  }
0x1a5: {  	v11 =	vld [tilespmem:s12+$0x0]  }
0x1a6: {  	v12 =	vld [tilespmem:s12+$0xFFFFFFA0]  }
0x1a7: {  	v13 =	vld [tilespmem:s12+$0xFFFFFFF0]  }
0x1a8: {  	v14 =	vld [tilespmem:s12+$0xFFFFFFB0]  }
0x1a9: {  	v15 =	vld [tilespmem:s12+$0xFFFFFFE0]  }
0x1aa: {  	v16 =	vld [tilespmem:s12+$0xFFFFFFC0]  }
0x1ab: {  	v17 =	vld [tilespmem:s12+$0xFFFFFFD0];
	s12 =	simm.s32 $0x4440  }
0x1ac: {  	v7 =	vadd.f32 v8, v7;
	v8 =	vmul.f32 v9, v9;
	v3 =	vsub.f32 v5, v3;
	v5 =	vld [tilespmem:s12+$0xFFFFFFC0]  }
0x1ad: {  	v10 =	vld.idx.msk [tilespmem:v10+s30+$0x0], $0xffff  }
0x1ae: {  	v7 =	vadd.f32 v8, v7;
	v3 =	vmul.f32 v3, v3;
	v1 =	vsub.f32 v4, v1;
	v4 =	vld [tilespmem:s12+$0xFFFFFFD0]  }
0x1af: {  	v9 =	vld.idx.msk [tilespmem:v12+s30+$0x0], $0xffff  }
0x1b0: {  	v3 =	vadd.f32 v3, v7;
	v1 =	vmul.f32 v1, v1;
	v2 =	vsub.f32 v6, v2;
	v6 =	vld [tilespmem:s12+$0xFFFFFFE0]  }
0x1b1: {  	v8 =	vld.idx.msk [tilespmem:v14+s30+$0x0], $0xffff  }
0x1b2: {  	v1 =	vadd.f32 v1, v3;
	v2 =	vmul.f32 v2, v2;
	v7 =	vld.idx.msk [tilespmem:v16+s30+$0x0], $0xffff;
	v3 =	vsub.f32 v5, v10  }
0x1b3: {  	v10 =	vld [tilespmem:s12+$0xFFFFFFF0]  }
0x1b4: {  	v1 =	vadd.f32 v2, v1;
	v63 =	vld.idx.msk [tilespmem:v17+s30+$0x0], $0xffff;
	v4 =	vsub.f32 v4, v9;
	v2 =	vmul.f32 v3, v3  }
0x1b5: {  	v9 =	vld [tilespmem:s12+$0x0]  }
0x1b6: {  	v6 =	vsub.f32 v6, v8;
	v5 =	vld [tilespmem:s12+$0x10];
	v4 =	vmul.f32 v4, v4;
	v2 =	vadd.f32 v2, v1  }
0x1b7: {  	v3 =	vld.idx.msk [tilespmem:v15+s30+$0x0], $0xffff  }
0x1b8: {  	v6 =	vmul.f32 v6, v6;
	v1 =	vld.idx.msk [tilespmem:v13+s30+$0x0], $0xffff;
	v10 =	vsub.f32 v10, v7;
	v8 =	vadd.f32 v4, v2  }
0x1b9: {  	v4 =	vld [tilespmem:s12+$0x20]  }
0x1ba: {  	v9 =	vsub.f32 v9, v63;
	v2 =	vld.idx.msk [tilespmem:v11+s30+$0x0], $0xffff;
	v7 =	vadd.f32 v6, v8;
	v8 =	vmul.f32 v10, v10  }
0x1bb: {  	s13 =	simm.s32 $0x0;
	s14 =	simm.s32 $0x20F0;
	v6 =	vld [tilespmem:s12+$0x30]  }
.LBB2_14:
0x1bc: {  	v10 =	vld [tilespmem:s14+$0xFFFFFF90];
	s13 =	sadd.s32 $0x8, s13;
	v7 =	vadd.f32 v8, v7;
	v8 =	vmul.f32 v9, v9;
	v3 =	vsub.f32 v5, v3  }
0x1bd: {  	v11 =	vld [tilespmem:s14+$0x0];
	p0 =	slt.u32 s13, $0xF8  }
0x1be: {  	v5 =	vld [tilespmem:s14+$0xFFFFFFA0];
	v7 =	vadd.f32 v8, v7;
	v3 =	vmul.f32 v3, v3;
	v1 =	vsub.f32 v4, v1  }
0x1bf: {  	v4 =	vld [tilespmem:s14+$0xFFFFFFF0]  }
0x1c0: {  	v8 =	vld [tilespmem:s14+$0xFFFFFFB0];
	v3 =	vadd.f32 v3, v7;
	v1 =	vmul.f32 v1, v1;
	v2 =	vsub.f32 v6, v2  }
0x1c1: {  	v6 =	vld [tilespmem:s14+$0xFFFFFFE0]  }
0x1c2: {  	v7 =	vld [tilespmem:s14+$0xFFFFFFC0];
	v1 =	vadd.f32 v1, v3;
	v2 =	vmul.f32 v2, v2  }
0x1c3: {  	v3 =	vld [tilespmem:s14+$0xFFFFFFD0]  }
0x1c4: {  	s12 =	sadd.s32 $0x80, s12;
	v9 =	vld.idx.msk [tilespmem:v10+s30+$0x0], $0xffff;
	v1 =	vadd.f32 v2, v1  }
0x1c5: {  	v2 =	vld [tilespmem:s12+$0xFFFFFFC0]  }
0x1c6: {  	v5 =	vld.idx.msk [tilespmem:v5+s30+$0x0], $0xffff  }
0x1c7: {  	v10 =	vld [tilespmem:s12+$0xFFFFFFD0]  }
0x1c8: {  	v8 =	vld.idx.msk [tilespmem:v8+s30+$0x0], $0xffff  }
0x1c9: {  	v12 =	vld [tilespmem:s12+$0xFFFFFFE0]  }
0x1ca: {  	v2 =	vsub.f32 v2, v9;
	v7 =	vld.idx.msk [tilespmem:v7+s30+$0x0], $0xffff  }
0x1cb: {  	v9 =	vld [tilespmem:s12+$0xFFFFFFF0]  }
0x1cc: {  	v2 =	vmul.f32 v2, v2;
	v5 =	vsub.f32 v10, v5;
	v10 =	vld.idx.msk [tilespmem:v3+s30+$0x0], $0xffff  }
0x1cd: {  	v13 =	vld [tilespmem:s12+$0x0]  }
0x1ce: {  	v1 =	vadd.f32 v2, v1;
	v2 =	vmul.f32 v5, v5;
	v8 =	vsub.f32 v12, v8;
	v3 =	vld.idx.msk [tilespmem:v6+s30+$0x0], $0xffff  }
.Ltmp6:
0x1cf: {  	v5 =	vld [tilespmem:s12+$0x10];
	(pc) =	sbr.rel @p0 .LBB2_14-.Ltmp6, $4  }
0x1d0: {  	v2 =	vadd.f32 v2, v1;
	v6 =	vmul.f32 v8, v8;
	v8 =	vsub.f32 v9, v7;
	v1 =	vld.idx.msk [tilespmem:v4+s30+$0x0], $0xffff  }
0x1d1: {  	v4 =	vld [tilespmem:s12+$0x20]  }
0x1d2: {  	v7 =	vadd.f32 v6, v2;
	v8 =	vmul.f32 v8, v8;
	v9 =	vsub.f32 v13, v10;
	v2 =	vld.idx.msk [tilespmem:v11+s30+$0x0], $0xffff  }
0x1d3: {  	s14 =	sadd.s32 $0x80, s14;
	v6 =	vld [tilespmem:s12+$0x30]  }
0x1d4: {  	_ =	swait.ge [sflag:s10], $0x1000  }
0x1d5: {  	[sflag:s10] =	ssyncset.done $0x0  }
0x1d6: {  	s12 =	simm.s32 $0x3070;
	[sflag:s10] =	ssyncadd.s32 $0xFFFFF000  }
0x1d7: {  	v10 =	vld [tilespmem:s12+$0xFFFFFF90]  }
0x1d8: {  	v11 =	vld [tilespmem:s12+$0x0]  }
0x1d9: {  	v12 =	vld [tilespmem:s12+$0xFFFFFFA0]  }
0x1da: {  	v13 =	vld [tilespmem:s12+$0xFFFFFFF0]  }
0x1db: {  	v14 =	vld [tilespmem:s12+$0xFFFFFFB0]  }
0x1dc: {  	v15 =	vld [tilespmem:s12+$0xFFFFFFE0]  }
0x1dd: {  	v16 =	vld [tilespmem:s12+$0xFFFFFFC0]  }
0x1de: {  	v17 =	vld [tilespmem:s12+$0xFFFFFFD0];
	s12 =	simm.s32 $0x5440  }
0x1df: {  	v7 =	vadd.f32 v8, v7;
	v8 =	vmul.f32 v9, v9;
	v3 =	vsub.f32 v5, v3;
	v5 =	vld [tilespmem:s12+$0xFFFFFFC0]  }
0x1e0: {  	v10 =	vld.idx.msk [tilespmem:v10+s30+$0x0], $0xffff  }
0x1e1: {  	v7 =	vadd.f32 v8, v7;
	v3 =	vmul.f32 v3, v3;
	v1 =	vsub.f32 v4, v1;
	v4 =	vld [tilespmem:s12+$0xFFFFFFD0]  }
0x1e2: {  	v9 =	vld.idx.msk [tilespmem:v12+s30+$0x0], $0xffff  }
0x1e3: {  	v3 =	vadd.f32 v3, v7;
	v1 =	vmul.f32 v1, v1;
	v2 =	vsub.f32 v6, v2;
	v6 =	vld [tilespmem:s12+$0xFFFFFFE0]  }
0x1e4: {  	v8 =	vld.idx.msk [tilespmem:v14+s30+$0x0], $0xffff  }
0x1e5: {  	v1 =	vadd.f32 v1, v3;
	v2 =	vmul.f32 v2, v2;
	v7 =	vld.idx.msk [tilespmem:v16+s30+$0x0], $0xffff;
	v3 =	vsub.f32 v5, v10  }
0x1e6: {  	v5 =	vld [tilespmem:s12+$0xFFFFFFF0]  }
0x1e7: {  	v2 =	vadd.f32 v2, v1;
	v10 =	vld.idx.msk [tilespmem:v17+s30+$0x0], $0xffff;
	v4 =	vsub.f32 v4, v9;
	v3 =	vmul.f32 v3, v3  }
0x1e8: {  	v9 =	vld [tilespmem:s12+$0x0]  }
0x1e9: {  	v1 =	vld.idx.msk [tilespmem:v15+s30+$0x0], $0xffff;
	v6 =	vsub.f32 v6, v8;
	v62 =	vmul.f32 v4, v4;
	v3 =	vadd.f32 v3, v2  }
0x1ea: {  	v4 =	vld [tilespmem:s12+$0x10]  }
0x1eb: {  	v6 =	vmul.f32 v6, v6;
	v2 =	vld.idx.msk [tilespmem:v13+s30+$0x0], $0xffff;
	v63 =	vsub.f32 v5, v7;
	v8 =	vadd.f32 v62, v3  }
0x1ec: {  	v5 =	vld [tilespmem:s12+$0x20]  }
0x1ed: {  	v9 =	vsub.f32 v9, v10;
	v3 =	vld.idx.msk [tilespmem:v11+s30+$0x0], $0xffff;
	v7 =	vadd.f32 v6, v8;
	v8 =	vmul.f32 v63, v63  }
0x1ee: {  	s13 =	simm.s32 $0x0;
	s14 =	simm.s32 $0x30F0;
	v6 =	vld [tilespmem:s12+$0x30]  }
.LBB2_16:
0x1ef: {  	v10 =	vld [tilespmem:s14+$0xFFFFFF90];
	s13 =	sadd.s32 $0x8, s13;
	v7 =	vadd.f32 v8, v7;
	v8 =	vmul.f32 v9, v9;
	v1 =	vsub.f32 v4, v1  }
0x1f0: {  	v11 =	vld [tilespmem:s14+$0x0];
	p0 =	slt.u32 s13, $0xF8  }
0x1f1: {  	v4 =	vld [tilespmem:s14+$0xFFFFFFA0];
	v7 =	vadd.f32 v8, v7;
	v1 =	vmul.f32 v1, v1;
	v2 =	vsub.f32 v5, v2  }
0x1f2: {  	v5 =	vld [tilespmem:s14+$0xFFFFFFF0]  }
0x1f3: {  	v8 =	vld [tilespmem:s14+$0xFFFFFFB0];
	v1 =	vadd.f32 v1, v7;
	v2 =	vmul.f32 v2, v2;
	v3 =	vsub.f32 v6, v3  }
0x1f4: {  	v6 =	vld [tilespmem:s14+$0xFFFFFFE0]  }
0x1f5: {  	v7 =	vld [tilespmem:s14+$0xFFFFFFC0];
	v1 =	vadd.f32 v2, v1;
	v2 =	vmul.f32 v3, v3  }
0x1f6: {  	v3 =	vld [tilespmem:s14+$0xFFFFFFD0]  }
0x1f7: {  	s12 =	sadd.s32 $0x80, s12;
	v9 =	vld.idx.msk [tilespmem:v10+s30+$0x0], $0xffff;
	v1 =	vadd.f32 v2, v1  }
0x1f8: {  	v2 =	vld [tilespmem:s12+$0xFFFFFFC0]  }
0x1f9: {  	v4 =	vld.idx.msk [tilespmem:v4+s30+$0x0], $0xffff  }
0x1fa: {  	v10 =	vld [tilespmem:s12+$0xFFFFFFD0]  }
0x1fb: {  	v8 =	vld.idx.msk [tilespmem:v8+s30+$0x0], $0xffff  }
0x1fc: {  	v12 =	vld [tilespmem:s12+$0xFFFFFFE0]  }
0x1fd: {  	v2 =	vsub.f32 v2, v9;
	v7 =	vld.idx.msk [tilespmem:v7+s30+$0x0], $0xffff  }
0x1fe: {  	v9 =	vld [tilespmem:s12+$0xFFFFFFF0]  }
0x1ff: {  	v2 =	vmul.f32 v2, v2;
	v4 =	vsub.f32 v10, v4;
	v3 =	vld.idx.msk [tilespmem:v3+s30+$0x0], $0xffff  }
0x200: {  	v10 =	vld [tilespmem:s12+$0x0]  }
0x201: {  	v2 =	vadd.f32 v2, v1;
	v13 =	vmul.f32 v4, v4;
	v8 =	vsub.f32 v12, v8;
	v1 =	vld.idx.msk [tilespmem:v6+s30+$0x0], $0xffff  }
.Ltmp7:
0x202: {  	v4 =	vld [tilespmem:s12+$0x10];
	(pc) =	sbr.rel @p0 .LBB2_16-.Ltmp7, $4  }
0x203: {  	v6 =	vadd.f32 v13, v2;
	v8 =	vmul.f32 v8, v8;
	v9 =	vsub.f32 v9, v7;
	v2 =	vld.idx.msk [tilespmem:v5+s30+$0x0], $0xffff  }
0x204: {  	v5 =	vld [tilespmem:s12+$0x20]  }
0x205: {  	v7 =	vadd.f32 v8, v6;
	v8 =	vmul.f32 v9, v9;
	v9 =	vsub.f32 v10, v3;
	v3 =	vld.idx.msk [tilespmem:v11+s30+$0x0], $0xffff  }
0x206: {  	s14 =	sadd.s32 $0x80, s14;
	v6 =	vld [tilespmem:s12+$0x30]  }
0x207: {  	v7 =	vadd.f32 v8, v7;
	v62 =	vmul.f32 v9, v9;
	v1 =	vsub.f32 v4, v1;
	_ =	sdelay $0x1  }
0x208: {  	v63 =	vadd.f32 v62, v7;
	v1 =	vmul.f32 v1, v1;
	v2 =	vsub.f32 v5, v2  }
0x209: {  	[tilespmem:$0x1EB10] =	vst v0  }
0x20a: {  	[tilespmem:$0x1EB20] =	vst v0;
	v1 =	vadd.f32 v1, v63;
	v2 =	vmul.f32 v2, v2;
	v3 =	vsub.f32 v6, v3  }
0x20b: {  	[tilespmem:$0x1EB30] =	vst v0  }
0x20c: {  	[tilespmem:$0x1EB40] =	vst v0;
	v1 =	vadd.f32 v2, v1;
	v2 =	vmul.f32 v3, v3  }
0x20d: {  	[tilespmem:$0x1EB50] =	vst v0  }
0x20e: {  	[tilespmem:$0x1EB60] =	vst v0;
	s11 =	sadd.s32 $0x1, s11;
	v1 =	vadd.f32 v2, v1  }
0x20f: {  	[tilespmem:$0x1EB70] =	vst v0;
	p0 =	sne.s32 s11, s25  }
.Ltmp8:
0x210: {  	s12 =	simm.s32 $0x1EB00;
	[tilespmem:$0x1EB00] =	vst v1;
	(pc) =	sbr.rel @p0 .LBB2_1-.Ltmp8, $4  }
0x211: {  	[hbm4b:s24+s3] =	stream.linear.scatter [tilespmem:s12], [sflag:$0x5], $0x80, $0x38;
	[tilespmem:$0x1EB80] =	vst v63  }
0x212: {  	_ =	swait.ge [sflag:s6], $0x80  }
0x213: {  	[sflag:s6] =	ssyncset.done $0x0  }
0x214: {  	[sflag:s6] =	ssyncadd.s32 $0xFFFFFF80  }
0x215: {  	_ =	sfence.sel $0x180000  }
0x216: {  	[bflag:$0x0] =	sbarrier.arrive $0xFFFF  }
0x217: {  	_ =	strace $0x90000047  }
0x218: {  	s0 =	stileid.u32;
	[bflag:$0x2] =	sbarrier.arrive $0xFFFF  }
0x219: {  	p0 =	sne.s32 s0, $0x0;
	s0 =	rddreg [dreg:$0x5]  }
0x21a: {  	s0 =	sadd.s32 @!p0 $0x100000, s0  }
0x21b: {  	[sflag:s0] =	ssyncadd.tile.s32 @!p0 $0x1;
	_ =	shalt  }
.Lfunc_end2:
_tile_overlayer_lowered:
.L_overlay_start_2:
0x21c: {  	(tag) =	ssettag $0x2  }
0x21d: {  	s0 =	rddreg [dreg:$0x0];
	s2 =	stileid.u32  }
0x21e: {  	s1 =	rddreg [dreg:$0x1];
	p0 =	sne.s32 s2, $0x0  }
0x21f: {  	s3 =	rddreg [dreg:$0x2];
	[bflag:$0x3] =	sbarrier.arrive $0xFFFF;
	s2 =	simm.s32 @!p0 $0x1C05  }
0x220: {  	[timem:s3], [sflag:s2] =	dma.local @!p0 [hbm:s0], s1  }
0x221: {  	s0 =	simm.s32 @!p0 $0x5  }
0x222: {  	_ =	swait.ge @!p0 [sflag:s0], s1  }
0x223: {  	s1 =	ssub.s32 @!p0 $0x0, s1;
	[sflag:s0] =	ssyncset.done @!p0 $0x0  }
0x224: {  	[sflag:s0] =	ssyncadd.s32 @!p0 s1  }
0x225: {  	[bflag:$0x3] =	sbarrier.arrive $0xFFFF  }
0x226: {  	_ =	shalt  }

</sc_bundles>
